<compile_context>
chip_gen: v7x
topology: tpu7x:2x2x1
jax: 0.10.2.dev20260603
libtpu: 0.0.44.dev20260713+nightly
codegen_flags: <defaults>
</compile_context>

<pallas_src>
import functools

import jax
import jax.numpy as jnp
from jax import lax
from jax.experimental import pallas as pl
from jax.experimental.pallas import tpu as pltpu
from jax.experimental.pallas import tpu_sc as plsc

VOCAB_SIZE = 100000
EMB_DIM = 128
CONTEXT_SIZE = 8192
BATCH = 4
SEQ_LEN = 8192

NUM_WORKERS = 32
POS_PER_W = SEQ_LEN // NUM_WORKERS
CHUNK = 128
HALVES = POS_PER_W // CHUNK
NCHUNK = BATCH * HALVES
NG = 3
LANES = 16
VREGS_PER_ROW = EMB_DIM // LANES

_mesh = plsc.VectorSubcoreMesh(core_axis_name="c", subcore_axis_name="s")


@functools.partial(
    pl.kernel,
    mesh=_mesh,
    out_type=jax.ShapeDtypeStruct((BATCH, SEQ_LEN, EMB_DIM), jnp.float32),
    scratch_types=[
        pltpu.VMEM((BATCH, POS_PER_W), jnp.int32),
        pltpu.VMEM((POS_PER_W, EMB_DIM), jnp.float32),
        pltpu.VMEM((CHUNK, EMB_DIM), jnp.float32),
        pltpu.VMEM((CHUNK, EMB_DIM), jnp.float32),
        pltpu.VMEM((CHUNK, EMB_DIM), jnp.float32),
        pltpu.VMEM((CHUNK, EMB_DIM), jnp.float32),
        pltpu.VMEM((CHUNK, EMB_DIM), jnp.float32),
        pltpu.SemaphoreType.DMA,
        pltpu.SemaphoreType.DMA,
        pltpu.SemaphoreType.DMA,
        pltpu.SemaphoreType.DMA,
        pltpu.SemaphoreType.DMA,
    ],
)
def _emb_lookup(ids_hbm, tok_hbm, pos_hbm, out_hbm, ids_v, pos_v,
                gbuf0, gbuf1, gbuf2, obuf0, obuf1, g0, g1, g2, o0, o1):
    gbuf = (gbuf0, gbuf1, gbuf2)
    obuf = (obuf0, obuf1)
    gsem = (g0, g1, g2)
    osem = (o0, o1)

    wid = lax.axis_index("s") * 2 + lax.axis_index("c")
    pos0 = wid * POS_PER_W

    pltpu.sync_copy(ids_hbm.at[:, pl.ds(pos0, POS_PER_W)], ids_v)
    ph = pltpu.async_copy(pos_hbm.at[pl.ds(pos0, POS_PER_W)], pos_v, o0)

    def idx_ref(k):
        return ids_v.at[k // HALVES, pl.ds((k % HALVES) * CHUNK, CHUNK)]

    gh = [pltpu.async_copy(tok_hbm.at[idx_ref(k)], gbuf[k], gsem[k])
          for k in range(NG)]
    ph.wait()

    oh = [None, None]
    for c in range(NCHUNK):
        gb = gbuf[c % NG]
        ob = obuf[c % 2]
        bi, h = divmod(c, HALVES)
        gh[c % NG].wait()
        if c >= 2:
            oh[c % 2].wait()

        hbase = h * CHUNK

        def add_body(i, carry):
            for j in range(VREGS_PER_ROW):
                sl = pl.ds(j * LANES, LANES)
                ob[i, sl] = gb[i, sl] + pos_v[hbase + i, sl]
            return carry

        lax.fori_loop(0, CHUNK, add_body, 0)

        nxt = c + NG
        if nxt < NCHUNK:
            gh[c % NG] = pltpu.async_copy(tok_hbm.at[idx_ref(nxt)], gb,
                                          gsem[c % NG])

        oh[c % 2] = pltpu.async_copy(
            ob, out_hbm.at[bi, pl.ds(pos0 + h * CHUNK, CHUNK)], osem[c % 2])

    oh[0].wait()
    oh[1].wait()


def kernel(token_ids, tok_emb, pos_emb):
    return _emb_lookup(token_ids.astype(jnp.int32), tok_emb, pos_emb)

# --- scband reference (transcript-rebuilt; emitter-appended) ---
"""Pipeline reference for scband-gptembedding-17729624998116 (READ-ONLY COPY).

The authoritative reference and input builder live on the scoring server;
editing this copy changes nothing except your own understanding.
"""

import jax, jax.numpy as jnp
import numpy as np

VOCAB_SIZE = 100000
EMB_DIM = 128
CONTEXT_SIZE = 8192
BATCH = 4
SEQ_LEN = 8192


def setup_inputs(seed: int = 0) -> dict:
    key = jax.random.key(seed)
    k_ids, k_tok, k_pos = jax.random.split(key, 3)
    token_ids = jax.random.randint(k_ids, (BATCH, SEQ_LEN), 0, VOCAB_SIZE, dtype=jnp.int64 if jax.config.jax_enable_x64 else jnp.int32)
    tok_emb = jax.random.normal(k_tok, (VOCAB_SIZE, EMB_DIM), dtype=jnp.float32) * 0.02
    pos_emb = jax.random.normal(k_pos, (CONTEXT_SIZE, EMB_DIM), dtype=jnp.float32) * 0.02
    return {"token_ids": token_ids, "tok_emb": tok_emb, "pos_emb": pos_emb}


def reference(token_ids, tok_emb, pos_emb):
    # tok_embeds = self.tok_emb(token_ids)
    tok_embeds = jnp.take(tok_emb, token_ids, axis=0)  # (B, S, D)
    # pos_ids = arange(seq_len); pos_embeds = self.pos_emb(pos_ids)
    seq_len = token_ids.shape[1]
    pos_ids = jnp.arange(seq_len)
    pos_embeds = jnp.take(pos_emb, pos_ids, axis=0)  # (S, D)
    # input_embeds = tok_embeds + pos_embeds (broadcast over batch)
    input_embeds = tok_embeds + pos_embeds[None, :, :]
    return input_embeds

if __name__ == "__main__":
    import jax
    _d = setup_inputs()
    print(jax.jit(kernel)(*tuple(_d.values())))

</pallas_src>

<mosaic_0001>
#map = affine_map<(d0, d1) -> (0, 0)>
#map1 = affine_map<(d0, d1) -> (0, 0, 0)>
module attributes {stable_mosaic.version = 14 : i64} {
  func.func @_emb_lookup(%arg0: i32, %arg1: i32, %arg2: memref<4x8192xi32, #tpu.memory_space<hbm>>, %arg3: memref<100000x128xf32, #tpu.memory_space<hbm>>, %arg4: memref<8192x128xf32, #tpu.memory_space<hbm>>, %arg5: memref<4x8192x128xf32, #tpu.memory_space<hbm>>, %arg6: memref<4x256xi32, #tpu.memory_space<vmem>>, %arg7: memref<256x128xf32, #tpu.memory_space<vmem>>, %arg8: memref<128x128xf32, #tpu.memory_space<vmem>>, %arg9: memref<128x128xf32, #tpu.memory_space<vmem>>, %arg10: memref<128x128xf32, #tpu.memory_space<vmem>>, %arg11: memref<128x128xf32, #tpu.memory_space<vmem>>, %arg12: memref<128x128xf32, #tpu.memory_space<vmem>>, %arg13: memref<!tpu.dma_semaphore, #tpu.memory_space<semaphore_mem>>, %arg14: memref<!tpu.dma_semaphore, #tpu.memory_space<semaphore_mem>>, %arg15: memref<!tpu.dma_semaphore, #tpu.memory_space<semaphore_mem>>, %arg16: memref<!tpu.dma_semaphore, #tpu.memory_space<semaphore_mem>>, %arg17: memref<!tpu.dma_semaphore, #tpu.memory_space<semaphore_mem>>) attributes {dimension_semantics = [#tpu.dimension_semantics<core_parallel>, #tpu.dimension_semantics<subcore_parallel>], iteration_bounds = array<i64: 2, 16>, scalar_prefetch = 0 : i64, scratch_operands = 12 : i64, tpu.core_type = #tpu.core_type<sc_vector_subcore>, window_params = [{transform_indices = #map}, {transform_indices = #map}, {transform_indices = #map}, {transform_indices = #map1}]} {
    %mul3A = arith.constant 2 : i32
    %mul3A_0 = arith.muli %arg1, %mul3A : i32
    %add3A = arith.addi %mul3A_0, %arg0 : i32
    %mul3A_1 = arith.constant 256 : i32
    %mul3A_2 = arith.muli %add3A, %mul3A_1 : i32
    "tpu.region"() ({
      %run_scoped3A = tpu.sem_alloc : memref<!tpu.dma_semaphore, #tpu.memory_space<semaphore_mem>>
      %dma_start3A_296 = arith.constant 0 : i32
      %dma_start3A_297 = tpu.memref_slice %arg2[%dma_start3A_296, %mul3A_2] : memref<4x8192xi32, #tpu.memory_space<hbm>> -> memref<4x256xi32, #tpu.memory_space<hbm>>
      %dma_start3A_298 = arith.constant 0 : i32
      %dma_start3A_299 = tpu.memref_slice %arg2[%dma_start3A_298, %mul3A_2] : memref<4x8192xi32, #tpu.memory_space<hbm>> -> memref<4x256xi32, #tpu.memory_space<hbm>>
      tpu.enqueue_dma source(%dma_start3A_299 : memref<4x256xi32, #tpu.memory_space<hbm>>) target(%arg6 : memref<4x256xi32, #tpu.memory_space<vmem>>) target_semaphore(%run_scoped3A : memref<!tpu.dma_semaphore, #tpu.memory_space<semaphore_mem>>)
      %dma_wait3A_300 = arith.constant 0 : i32
      %dma_wait3A_301 = tpu.memref_slice %arg2[%dma_wait3A_300, %mul3A_2] : memref<4x8192xi32, #tpu.memory_space<hbm>> -> memref<4x256xi32, #tpu.memory_space<hbm>>
      %dma_wait3A_302 = arith.constant 0 : i32
      %dma_wait3A_303 = tpu.memref_slice %arg2[%dma_wait3A_302, %mul3A_2] : memref<4x8192xi32, #tpu.memory_space<hbm>> -> memref<4x256xi32, #tpu.memory_space<hbm>>
      tpu.wait_dma2 semaphore(%run_scoped3A : memref<!tpu.dma_semaphore, #tpu.memory_space<semaphore_mem>>) src(%dma_wait3A_303 : memref<4x256xi32, #tpu.memory_space<hbm>>) dst(%arg6 : memref<4x256xi32, #tpu.memory_space<vmem>>)
      tpu.yield
    }) : () -> ()
    %dma_start3A = arith.constant 0 : i32
    %dma_start3A_3 = tpu.memref_slice %arg4[%mul3A_2, %dma_start3A] : memref<8192x128xf32, #tpu.memory_space<hbm>> -> memref<256x128xf32, #tpu.memory_space<hbm>>
    %dma_start3A_4 = arith.constant 0 : i32
    %dma_start3A_5 = tpu.memref_slice %arg4[%mul3A_2, %dma_start3A_4] : memref<8192x128xf32, #tpu.memory_space<hbm>> -> memref<256x128xf32, #tpu.memory_space<hbm>>
    tpu.enqueue_dma source(%dma_start3A_5 : memref<256x128xf32, #tpu.memory_space<hbm>>) target(%arg7 : memref<256x128xf32, #tpu.memory_space<vmem>>) target_semaphore(%arg16 : memref<!tpu.dma_semaphore, #tpu.memory_space<semaphore_mem>>)
    %dma_start3A_6 = arith.constant 0 : i32
    %dma_start3A_7 = arith.constant 0 : i32
    %dma_start3A_8 = tpu.memref_slice %arg6[%dma_start3A_6, %dma_start3A_7] : memref<4x256xi32, #tpu.memory_space<vmem>> -> memref<1x128xi32, #tpu.memory_space<vmem>>
    %dma_start3A_9 = tpu.memref_squeeze %dma_start3A_8 : memref<1x128xi32, #tpu.memory_space<vmem>> -> memref<128xi32, #tpu.memory_space<vmem>>
    %dma_start3A_10 = arith.constant 0 : i32
    %dma_start3A_11 = arith.constant 0 : i32
    %dma_start3A_12 = tpu.memref_slice %arg3[%dma_start3A_10, %dma_start3A_11] : memref<100000x128xf32, #tpu.memory_space<hbm>> -> memref<100000x128xf32, #tpu.memory_space<hbm>>
    tpu.enqueue_indirect_dma source(%dma_start3A_12 : memref<100000x128xf32, #tpu.memory_space<hbm>>) target(%arg8 : memref<128x128xf32, #tpu.memory_space<vmem>>) offsets(%dma_start3A_9 : memref<128xi32, #tpu.memory_space<vmem>>) semaphore(%arg13 : memref<!tpu.dma_semaphore, #tpu.memory_space<semaphore_mem>>)
    %dma_start3A_13 = arith.constant 0 : i32
    %dma_start3A_14 = arith.constant 128 : i32
    %dma_start3A_15 = tpu.memref_slice %arg6[%dma_start3A_13, %dma_start3A_14] : memref<4x256xi32, #tpu.memory_space<vmem>> -> memref<1x128xi32, #tpu.memory_space<vmem>>
    %dma_start3A_16 = tpu.memref_squeeze %dma_start3A_15 : memref<1x128xi32, #tpu.memory_space<vmem>> -> memref<128xi32, #tpu.memory_space<vmem>>
    %dma_start3A_17 = arith.constant 0 : i32
    %dma_start3A_18 = arith.constant 0 : i32
    %dma_start3A_19 = tpu.memref_slice %arg3[%dma_start3A_17, %dma_start3A_18] : memref<100000x128xf32, #tpu.memory_space<hbm>> -> memref<100000x128xf32, #tpu.memory_space<hbm>>
    tpu.enqueue_indirect_dma source(%dma_start3A_19 : memref<100000x128xf32, #tpu.memory_space<hbm>>) target(%arg9 : memref<128x128xf32, #tpu.memory_space<vmem>>) offsets(%dma_start3A_16 : memref<128xi32, #tpu.memory_space<vmem>>) semaphore(%arg14 : memref<!tpu.dma_semaphore, #tpu.memory_space<semaphore_mem>>)
    %dma_start3A_20 = arith.constant 1 : i32
    %dma_start3A_21 = arith.constant 0 : i32
    %dma_start3A_22 = tpu.memref_slice %arg6[%dma_start3A_20, %dma_start3A_21] : memref<4x256xi32, #tpu.memory_space<vmem>> -> memref<1x128xi32, #tpu.memory_space<vmem>>
    %dma_start3A_23 = tpu.memref_squeeze %dma_start3A_22 : memref<1x128xi32, #tpu.memory_space<vmem>> -> memref<128xi32, #tpu.memory_space<vmem>>
    %dma_start3A_24 = arith.constant 0 : i32
    %dma_start3A_25 = arith.constant 0 : i32
    %dma_start3A_26 = tpu.memref_slice %arg3[%dma_start3A_24, %dma_start3A_25] : memref<100000x128xf32, #tpu.memory_space<hbm>> -> memref<100000x128xf32, #tpu.memory_space<hbm>>
    tpu.enqueue_indirect_dma source(%dma_start3A_26 : memref<100000x128xf32, #tpu.memory_space<hbm>>) target(%arg10 : memref<128x128xf32, #tpu.memory_space<vmem>>) offsets(%dma_start3A_23 : memref<128xi32, #tpu.memory_space<vmem>>) semaphore(%arg15 : memref<!tpu.dma_semaphore, #tpu.memory_space<semaphore_mem>>)
    %dma_wait3A = arith.constant 0 : i32
    %dma_wait3A_27 = tpu.memref_slice %arg4[%mul3A_2, %dma_wait3A] : memref<8192x128xf32, #tpu.memory_space<hbm>> -> memref<256x128xf32, #tpu.memory_space<hbm>>
    %dma_wait3A_28 = arith.constant 0 : i32
    %dma_wait3A_29 = tpu.memref_slice %arg4[%mul3A_2, %dma_wait3A_28] : memref<8192x128xf32, #tpu.memory_space<hbm>> -> memref<256x128xf32, #tpu.memory_space<hbm>>
    tpu.wait_dma2 semaphore(%arg16 : memref<!tpu.dma_semaphore, #tpu.memory_space<semaphore_mem>>) src(%dma_wait3A_29 : memref<256x128xf32, #tpu.memory_space<hbm>>) dst(%arg7 : memref<256x128xf32, #tpu.memory_space<vmem>>)
    %dma_wait3A_30 = arith.constant 0 : i32
    %dma_wait3A_31 = arith.constant 0 : i32
    %dma_wait3A_32 = tpu.memref_slice %arg6[%dma_wait3A_30, %dma_wait3A_31] : memref<4x256xi32, #tpu.memory_space<vmem>> -> memref<1x128xi32, #tpu.memory_space<vmem>>
    %dma_wait3A_33 = tpu.memref_squeeze %dma_wait3A_32 : memref<1x128xi32, #tpu.memory_space<vmem>> -> memref<128xi32, #tpu.memory_space<vmem>>
    %dma_wait3A_34 = arith.constant 0 : i32
    %dma_wait3A_35 = arith.constant 0 : i32
    %dma_wait3A_36 = tpu.memref_slice %arg3[%dma_wait3A_34, %dma_wait3A_35] : memref<100000x128xf32, #tpu.memory_space<hbm>> -> memref<100000x128xf32, #tpu.memory_space<hbm>>
    tpu.wait_indirect_dma semaphore(%arg13 : memref<!tpu.dma_semaphore, #tpu.memory_space<semaphore_mem>>) src(%dma_wait3A_36 : memref<100000x128xf32, #tpu.memory_space<hbm>>) dst(%arg8 : memref<128x128xf32, #tpu.memory_space<vmem>>)
    %scan3A = arith.constant 0 : i32
    %scan3A_37 = arith.constant 0 : i32
    %scan3A_38 = arith.constant 128 : i32
    %scan3A_39 = arith.addi %scan3A_37, %scan3A_38 : i32
    %scan3A_40 = arith.constant 1 : i32
    scf.for %scan3A_296 = %scan3A_37 to %scan3A_39 step %scan3A_40  : i32 {
      %get3A = arith.index_cast %scan3A_296 : i32 to index
      %get3A_297 = arith.constant 0 : index
      %get3A_298 = tpu.vector_load %arg8[%get3A, %get3A_297] {strides = array<i32>} : memref<128x128xf32, #tpu.memory_space<vmem>>, vector<1x16xf32>,
      %get3A_299 = vector.shape_cast %get3A_298 : vector<1x16xf32> to vector<16xf32>
      %add3A_300 = arith.constant 0 : i32
      %add3A_301 = arith.addi %add3A_300, %scan3A_296 : i32
      %get3A_302 = arith.index_cast %add3A_301 : i32 to index
      %get3A_303 = arith.constant 0 : index
      %get3A_304 = tpu.vector_load %arg7[%get3A_302, %get3A_303] {strides = array<i32>} : memref<256x128xf32, #tpu.memory_space<vmem>>, vector<1x16xf32>,
      %get3A_305 = vector.shape_cast %get3A_304 : vector<1x16xf32> to vector<16xf32>
      %add3A_306 = arith.addf %get3A_299, %get3A_305 : vector<16xf32>
      %swap3A = arith.index_cast %scan3A_296 : i32 to index
      %swap3A_307 = arith.constant 0 : index
      %swap3A_308 = tpu.vector_load %arg11[%swap3A, %swap3A_307] {strides = array<i32>} : memref<128x128xf32, #tpu.memory_space<vmem>>, vector<1x16xf32>,
      %swap3A_309 = vector.shape_cast %swap3A_308 : vector<1x16xf32> to vector<16xf32>
      %swap3A_310 = vector.shape_cast %add3A_306 : vector<16xf32> to vector<1x16xf32>
      tpu.vector_store %arg11[%swap3A, %swap3A_307], %swap3A_310 {strides = array<i32>} : memref<128x128xf32, #tpu.memory_space<vmem>>, vector<1x16xf32>,
      %get3A_311 = arith.index_cast %scan3A_296 : i32 to index
      %get3A_312 = arith.constant 16 : index
      %get3A_313 = tpu.vector_load %arg8[%get3A_311, %get3A_312] {strides = array<i32>} : memref<128x128xf32, #tpu.memory_space<vmem>>, vector<1x16xf32>,
      %get3A_314 = vector.shape_cast %get3A_313 : vector<1x16xf32> to vector<16xf32>
      %add3A_315 = arith.constant 0 : i32
      %add3A_316 = arith.addi %add3A_315, %scan3A_296 : i32
      %get3A_317 = arith.index_cast %add3A_316 : i32 to index
      %get3A_318 = arith.constant 16 : index
      %get3A_319 = tpu.vector_load %arg7[%get3A_317, %get3A_318] {strides = array<i32>} : memref<256x128xf32, #tpu.memory_space<vmem>>, vector<1x16xf32>,
      %get3A_320 = vector.shape_cast %get3A_319 : vector<1x16xf32> to vector<16xf32>
      %add3A_321 = arith.addf %get3A_314, %get3A_320 : vector<16xf32>
      %swap3A_322 = arith.index_cast %scan3A_296 : i32 to index
      %swap3A_323 = arith.constant 16 : index
      %swap3A_324 = tpu.vector_load %arg11[%swap3A_322, %swap3A_323] {strides = array<i32>} : memref<128x128xf32, #tpu.memory_space<vmem>>, vector<1x16xf32>,
      %swap3A_325 = vector.shape_cast %swap3A_324 : vector<1x16xf32> to vector<16xf32>
      %swap3A_326 = vector.shape_cast %add3A_321 : vector<16xf32> to vector<1x16xf32>
      tpu.vector_store %arg11[%swap3A_322, %swap3A_323], %swap3A_326 {strides = array<i32>} : memref<128x128xf32, #tpu.memory_space<vmem>>, vector<1x16xf32>,
      %get3A_327 = arith.index_cast %scan3A_296 : i32 to index
      %get3A_328 = arith.constant 32 : index
      %get3A_329 = tpu.vector_load %arg8[%get3A_327, %get3A_328] {strides = array<i32>} : memref<128x128xf32, #tpu.memory_space<vmem>>, vector<1x16xf32>,
      %get3A_330 = vector.shape_cast %get3A_329 : vector<1x16xf32> to vector<16xf32>
      %add3A_331 = arith.constant 0 : i32
      %add3A_332 = arith.addi %add3A_331, %scan3A_296 : i32
      %get3A_333 = arith.index_cast %add3A_332 : i32 to index
      %get3A_334 = arith.constant 32 : index
      %get3A_335 = tpu.vector_load %arg7[%get3A_333, %get3A_334] {strides = array<i32>} : memref<256x128xf32, #tpu.memory_space<vmem>>, vector<1x16xf32>,
      %get3A_336 = vector.shape_cast %get3A_335 : vector<1x16xf32> to vector<16xf32>
      %add3A_337 = arith.addf %get3A_330, %get3A_336 : vector<16xf32>
      %swap3A_338 = arith.index_cast %scan3A_296 : i32 to index
      %swap3A_339 = arith.constant 32 : index
      %swap3A_340 = tpu.vector_load %arg11[%swap3A_338, %swap3A_339] {strides = array<i32>} : memref<128x128xf32, #tpu.memory_space<vmem>>, vector<1x16xf32>,
      %swap3A_341 = vector.shape_cast %swap3A_340 : vector<1x16xf32> to vector<16xf32>
      %swap3A_342 = vector.shape_cast %add3A_337 : vector<16xf32> to vector<1x16xf32>
      tpu.vector_store %arg11[%swap3A_338, %swap3A_339], %swap3A_342 {strides = array<i32>} : memref<128x128xf32, #tpu.memory_space<vmem>>, vector<1x16xf32>,
      %get3A_343 = arith.index_cast %scan3A_296 : i32 to index
      %get3A_344 = arith.constant 48 : index
      %get3A_345 = tpu.vector_load %arg8[%get3A_343, %get3A_344] {strides = array<i32>} : memref<128x128xf32, #tpu.memory_space<vmem>>, vector<1x16xf32>,
      %get3A_346 = vector.shape_cast %get3A_345 : vector<1x16xf32> to vector<16xf32>
      %add3A_347 = arith.constant 0 : i32
      %add3A_348 = arith.addi %add3A_347, %scan3A_296 : i32
      %get3A_349 = arith.index_cast %add3A_348 : i32 to index
      %get3A_350 = arith.constant 48 : index
      %get3A_351 = tpu.vector_load %arg7[%get3A_349, %get3A_350] {strides = array<i32>} : memref<256x128xf32, #tpu.memory_space<vmem>>, vector<1x16xf32>,
      %get3A_352 = vector.shape_cast %get3A_351 : vector<1x16xf32> to vector<16xf32>
      %add3A_353 = arith.addf %get3A_346, %get3A_352 : vector<16xf32>
      %swap3A_354 = arith.index_cast %scan3A_296 : i32 to index
      %swap3A_355 = arith.constant 48 : index
      %swap3A_356 = tpu.vector_load %arg11[%swap3A_354, %swap3A_355] {strides = array<i32>} : memref<128x128xf32, #tpu.memory_space<vmem>>, vector<1x16xf32>,
      %swap3A_357 = vector.shape_cast %swap3A_356 : vector<1x16xf32> to vector<16xf32>
      %swap3A_358 = vector.shape_cast %add3A_353 : vector<16xf32> to vector<1x16xf32>
      tpu.vector_store %arg11[%swap3A_354, %swap3A_355], %swap3A_358 {strides = array<i32>} : memref<128x128xf32, #tpu.memory_space<vmem>>, vector<1x16xf32>,
      %get3A_359 = arith.index_cast %scan3A_296 : i32 to index
      %get3A_360 = arith.constant 64 : index
      %get3A_361 = tpu.vector_load %arg8[%get3A_359, %get3A_360] {strides = array<i32>} : memref<128x128xf32, #tpu.memory_space<vmem>>, vector<1x16xf32>,
      %get3A_362 = vector.shape_cast %get3A_361 : vector<1x16xf32> to vector<16xf32>
      %add3A_363 = arith.constant 0 : i32
      %add3A_364 = arith.addi %add3A_363, %scan3A_296 : i32
      %get3A_365 = arith.index_cast %add3A_364 : i32 to index
      %get3A_366 = arith.constant 64 : index
      %get3A_367 = tpu.vector_load %arg7[%get3A_365, %get3A_366] {strides = array<i32>} : memref<256x128xf32, #tpu.memory_space<vmem>>, vector<1x16xf32>,
      %get3A_368 = vector.shape_cast %get3A_367 : vector<1x16xf32> to vector<16xf32>
      %add3A_369 = arith.addf %get3A_362, %get3A_368 : vector<16xf32>
      %swap3A_370 = arith.index_cast %scan3A_296 : i32 to index
      %swap3A_371 = arith.constant 64 : index
      %swap3A_372 = tpu.vector_load %arg11[%swap3A_370, %swap3A_371] {strides = array<i32>} : memref<128x128xf32, #tpu.memory_space<vmem>>, vector<1x16xf32>,
      %swap3A_373 = vector.shape_cast %swap3A_372 : vector<1x16xf32> to vector<16xf32>
      %swap3A_374 = vector.shape_cast %add3A_369 : vector<16xf32> to vector<1x16xf32>
      tpu.vector_store %arg11[%swap3A_370, %swap3A_371], %swap3A_374 {strides = array<i32>} : memref<128x128xf32, #tpu.memory_space<vmem>>, vector<1x16xf32>,
      %get3A_375 = arith.index_cast %scan3A_296 : i32 to index
      %get3A_376 = arith.constant 80 : index
      %get3A_377 = tpu.vector_load %arg8[%get3A_375, %get3A_376] {strides = array<i32>} : memref<128x128xf32, #tpu.memory_space<vmem>>, vector<1x16xf32>,
      %get3A_378 = vector.shape_cast %get3A_377 : vector<1x16xf32> to vector<16xf32>
      %add3A_379 = arith.constant 0 : i32
      %add3A_380 = arith.addi %add3A_379, %scan3A_296 : i32
      %get3A_381 = arith.index_cast %add3A_380 : i32 to index
      %get3A_382 = arith.constant 80 : index
      %get3A_383 = tpu.vector_load %arg7[%get3A_381, %get3A_382] {strides = array<i32>} : memref<256x128xf32, #tpu.memory_space<vmem>>, vector<1x16xf32>,
      %get3A_384 = vector.shape_cast %get3A_383 : vector<1x16xf32> to vector<16xf32>
      %add3A_385 = arith.addf %get3A_378, %get3A_384 : vector<16xf32>
      %swap3A_386 = arith.index_cast %scan3A_296 : i32 to index
      %swap3A_387 = arith.constant 80 : index
      %swap3A_388 = tpu.vector_load %arg11[%swap3A_386, %swap3A_387] {strides = array<i32>} : memref<128x128xf32, #tpu.memory_space<vmem>>, vector<1x16xf32>,
      %swap3A_389 = vector.shape_cast %swap3A_388 : vector<1x16xf32> to vector<16xf32>
      %swap3A_390 = vector.shape_cast %add3A_385 : vector<16xf32> to vector<1x16xf32>
      tpu.vector_store %arg11[%swap3A_386, %swap3A_387], %swap3A_390 {strides = array<i32>} : memref<128x128xf32, #tpu.memory_space<vmem>>, vector<1x16xf32>,
      %get3A_391 = arith.index_cast %scan3A_296 : i32 to index
      %get3A_392 = arith.constant 96 : index
      %get3A_393 = tpu.vector_load %arg8[%get3A_391, %get3A_392] {strides = array<i32>} : memref<128x128xf32, #tpu.memory_space<vmem>>, vector<1x16xf32>,
      %get3A_394 = vector.shape_cast %get3A_393 : vector<1x16xf32> to vector<16xf32>
      %add3A_395 = arith.constant 0 : i32
      %add3A_396 = arith.addi %add3A_395, %scan3A_296 : i32
      %get3A_397 = arith.index_cast %add3A_396 : i32 to index
      %get3A_398 = arith.constant 96 : index
      %get3A_399 = tpu.vector_load %arg7[%get3A_397, %get3A_398] {strides = array<i32>} : memref<256x128xf32, #tpu.memory_space<vmem>>, vector<1x16xf32>,
      %get3A_400 = vector.shape_cast %get3A_399 : vector<1x16xf32> to vector<16xf32>
      %add3A_401 = arith.addf %get3A_394, %get3A_400 : vector<16xf32>
      %swap3A_402 = arith.index_cast %scan3A_296 : i32 to index
      %swap3A_403 = arith.constant 96 : index
      %swap3A_404 = tpu.vector_load %arg11[%swap3A_402, %swap3A_403] {strides = array<i32>} : memref<128x128xf32, #tpu.memory_space<vmem>>, vector<1x16xf32>,
      %swap3A_405 = vector.shape_cast %swap3A_404 : vector<1x16xf32> to vector<16xf32>
      %swap3A_406 = vector.shape_cast %add3A_401 : vector<16xf32> to vector<1x16xf32>
      tpu.vector_store %arg11[%swap3A_402, %swap3A_403], %swap3A_406 {strides = array<i32>} : memref<128x128xf32, #tpu.memory_space<vmem>>, vector<1x16xf32>,
      %get3A_407 = arith.index_cast %scan3A_296 : i32 to index
      %get3A_408 = arith.constant 112 : index
      %get3A_409 = tpu.vector_load %arg8[%get3A_407, %get3A_408] {strides = array<i32>} : memref<128x128xf32, #tpu.memory_space<vmem>>, vector<1x16xf32>,
      %get3A_410 = vector.shape_cast %get3A_409 : vector<1x16xf32> to vector<16xf32>
      %add3A_411 = arith.constant 0 : i32
      %add3A_412 = arith.addi %add3A_411, %scan3A_296 : i32
      %get3A_413 = arith.index_cast %add3A_412 : i32 to index
      %get3A_414 = arith.constant 112 : index
      %get3A_415 = tpu.vector_load %arg7[%get3A_413, %get3A_414] {strides = array<i32>} : memref<256x128xf32, #tpu.memory_space<vmem>>, vector<1x16xf32>,
      %get3A_416 = vector.shape_cast %get3A_415 : vector<1x16xf32> to vector<16xf32>
      %add3A_417 = arith.addf %get3A_410, %get3A_416 : vector<16xf32>
      %swap3A_418 = arith.index_cast %scan3A_296 : i32 to index
      %swap3A_419 = arith.constant 112 : index
      %swap3A_420 = tpu.vector_load %arg11[%swap3A_418, %swap3A_419] {strides = array<i32>} : memref<128x128xf32, #tpu.memory_space<vmem>>, vector<1x16xf32>,
      %swap3A_421 = vector.shape_cast %swap3A_420 : vector<1x16xf32> to vector<16xf32>
      %swap3A_422 = vector.shape_cast %add3A_417 : vector<16xf32> to vector<1x16xf32>
      tpu.vector_store %arg11[%swap3A_418, %swap3A_419], %swap3A_422 {strides = array<i32>} : memref<128x128xf32, #tpu.memory_space<vmem>>, vector<1x16xf32>,
    }
    %scan3A_41 = arith.constant 128 : i32
    %dma_start3A_42 = arith.constant 1 : i32
    %dma_start3A_43 = arith.constant 128 : i32
    %dma_start3A_44 = tpu.memref_slice %arg6[%dma_start3A_42, %dma_start3A_43] : memref<4x256xi32, #tpu.memory_space<vmem>> -> memref<1x128xi32, #tpu.memory_space<vmem>>
    %dma_start3A_45 = tpu.memref_squeeze %dma_start3A_44 : memref<1x128xi32, #tpu.memory_space<vmem>> -> memref<128xi32, #tpu.memory_space<vmem>>
    %dma_start3A_46 = arith.constant 0 : i32
    %dma_start3A_47 = arith.constant 0 : i32
    %dma_start3A_48 = tpu.memref_slice %arg3[%dma_start3A_46, %dma_start3A_47] : memref<100000x128xf32, #tpu.memory_space<hbm>> -> memref<100000x128xf32, #tpu.memory_space<hbm>>
    tpu.enqueue_indirect_dma source(%dma_start3A_48 : memref<100000x128xf32, #tpu.memory_space<hbm>>) target(%arg8 : memref<128x128xf32, #tpu.memory_space<vmem>>) offsets(%dma_start3A_45 : memref<128xi32, #tpu.memory_space<vmem>>) semaphore(%arg13 : memref<!tpu.dma_semaphore, #tpu.memory_space<semaphore_mem>>)
    %add3A_49 = arith.constant 0 : i32
    %add3A_50 = arith.addi %mul3A_2, %add3A_49 : i32
    %dma_start3A_51 = arith.constant 0 : i32
    %dma_start3A_52 = arith.constant 0 : i32
    %dma_start3A_53 = tpu.memref_slice %arg5[%dma_start3A_51, %add3A_50, %dma_start3A_52] : memref<4x8192x128xf32, #tpu.memory_space<hbm>> -> memref<1x128x128xf32, #tpu.memory_space<hbm>>
    %dma_start3A_54 = tpu.memref_squeeze %dma_start3A_53 : memref<1x128x128xf32, #tpu.memory_space<hbm>> -> memref<128x128xf32, #tpu.memory_space<hbm>>
    %dma_start3A_55 = arith.constant 0 : i32
    %dma_start3A_56 = tpu.memref_slice %arg5[%dma_start3A_51, %add3A_50, %dma_start3A_55] : memref<4x8192x128xf32, #tpu.memory_space<hbm>> -> memref<1x128x128xf32, #tpu.memory_space<hbm>>
    %dma_start3A_57 = tpu.memref_squeeze %dma_start3A_56 : memref<1x128x128xf32, #tpu.memory_space<hbm>> -> memref<128x128xf32, #tpu.memory_space<hbm>>
    tpu.enqueue_dma source(%arg11 : memref<128x128xf32, #tpu.memory_space<vmem>>) target(%dma_start3A_57 : memref<128x128xf32, #tpu.memory_space<hbm>>) target_semaphore(%arg16 : memref<!tpu.dma_semaphore, #tpu.memory_space<semaphore_mem>>)
    %dma_wait3A_58 = arith.constant 0 : i32
    %dma_wait3A_59 = arith.constant 128 : i32
    %dma_wait3A_60 = tpu.memref_slice %arg6[%dma_wait3A_58, %dma_wait3A_59] : memref<4x256xi32, #tpu.memory_space<vmem>> -> memref<1x128xi32, #tpu.memory_space<vmem>>
    %dma_wait3A_61 = tpu.memref_squeeze %dma_wait3A_60 : memref<1x128xi32, #tpu.memory_space<vmem>> -> memref<128xi32, #tpu.memory_space<vmem>>
    %dma_wait3A_62 = arith.constant 0 : i32
    %dma_wait3A_63 = arith.constant 0 : i32
    %dma_wait3A_64 = tpu.memref_slice %arg3[%dma_wait3A_62, %dma_wait3A_63] : memref<100000x128xf32, #tpu.memory_space<hbm>> -> memref<100000x128xf32, #tpu.memory_space<hbm>>
    tpu.wait_indirect_dma semaphore(%arg14 : memref<!tpu.dma_semaphore, #tpu.memory_space<semaphore_mem>>) src(%dma_wait3A_64 : memref<100000x128xf32, #tpu.memory_space<hbm>>) dst(%arg9 : memref<128x128xf32, #tpu.memory_space<vmem>>)
    %scan3A_65 = arith.constant 0 : i32
    %scan3A_66 = arith.constant 0 : i32
    %scan3A_67 = arith.constant 128 : i32
    %scan3A_68 = arith.addi %scan3A_66, %scan3A_67 : i32
    %scan3A_69 = arith.constant 1 : i32
    scf.for %scan3A_296 = %scan3A_66 to %scan3A_68 step %scan3A_69  : i32 {
      %get3A = arith.index_cast %scan3A_296 : i32 to index
      %get3A_297 = arith.constant 0 : index
      %get3A_298 = tpu.vector_load %arg9[%get3A, %get3A_297] {strides = array<i32>} : memref<128x128xf32, #tpu.memory_space<vmem>>, vector<1x16xf32>,
      %get3A_299 = vector.shape_cast %get3A_298 : vector<1x16xf32> to vector<16xf32>
      %add3A_300 = arith.constant 128 : i32
      %add3A_301 = arith.addi %add3A_300, %scan3A_296 : i32
      %get3A_302 = arith.index_cast %add3A_301 : i32 to index
      %get3A_303 = arith.constant 0 : index
      %get3A_304 = tpu.vector_load %arg7[%get3A_302, %get3A_303] {strides = array<i32>} : memref<256x128xf32, #tpu.memory_space<vmem>>, vector<1x16xf32>,
      %get3A_305 = vector.shape_cast %get3A_304 : vector<1x16xf32> to vector<16xf32>
      %add3A_306 = arith.addf %get3A_299, %get3A_305 : vector<16xf32>
      %swap3A = arith.index_cast %scan3A_296 : i32 to index
      %swap3A_307 = arith.constant 0 : index
      %swap3A_308 = tpu.vector_load %arg12[%swap3A, %swap3A_307] {strides = array<i32>} : memref<128x128xf32, #tpu.memory_space<vmem>>, vector<1x16xf32>,
      %swap3A_309 = vector.shape_cast %swap3A_308 : vector<1x16xf32> to vector<16xf32>
      %swap3A_310 = vector.shape_cast %add3A_306 : vector<16xf32> to vector<1x16xf32>
      tpu.vector_store %arg12[%swap3A, %swap3A_307], %swap3A_310 {strides = array<i32>} : memref<128x128xf32, #tpu.memory_space<vmem>>, vector<1x16xf32>,
      %get3A_311 = arith.index_cast %scan3A_296 : i32 to index
      %get3A_312 = arith.constant 16 : index
      %get3A_313 = tpu.vector_load %arg9[%get3A_311, %get3A_312] {strides = array<i32>} : memref<128x128xf32, #tpu.memory_space<vmem>>, vector<1x16xf32>,
      %get3A_314 = vector.shape_cast %get3A_313 : vector<1x16xf32> to vector<16xf32>
      %add3A_315 = arith.constant 128 : i32
      %add3A_316 = arith.addi %add3A_315, %scan3A_296 : i32
      %get3A_317 = arith.index_cast %add3A_316 : i32 to index
      %get3A_318 = arith.constant 16 : index
      %get3A_319 = tpu.vector_load %arg7[%get3A_317, %get3A_318] {strides = array<i32>} : memref<256x128xf32, #tpu.memory_space<vmem>>, vector<1x16xf32>,
      %get3A_320 = vector.shape_cast %get3A_319 : vector<1x16xf32> to vector<16xf32>
      %add3A_321 = arith.addf %get3A_314, %get3A_320 : vector<16xf32>
      %swap3A_322 = arith.index_cast %scan3A_296 : i32 to index
      %swap3A_323 = arith.constant 16 : index
      %swap3A_324 = tpu.vector_load %arg12[%swap3A_322, %swap3A_323] {strides = array<i32>} : memref<128x128xf32, #tpu.memory_space<vmem>>, vector<1x16xf32>,
      %swap3A_325 = vector.shape_cast %swap3A_324 : vector<1x16xf32> to vector<16xf32>
      %swap3A_326 = vector.shape_cast %add3A_321 : vector<16xf32> to vector<1x16xf32>
      tpu.vector_store %arg12[%swap3A_322, %swap3A_323], %swap3A_326 {strides = array<i32>} : memref<128x128xf32, #tpu.memory_space<vmem>>, vector<1x16xf32>,
      %get3A_327 = arith.index_cast %scan3A_296 : i32 to index
      %get3A_328 = arith.constant 32 : index
      %get3A_329 = tpu.vector_load %arg9[%get3A_327, %get3A_328] {strides = array<i32>} : memref<128x128xf32, #tpu.memory_space<vmem>>, vector<1x16xf32>,
      %get3A_330 = vector.shape_cast %get3A_329 : vector<1x16xf32> to vector<16xf32>
      %add3A_331 = arith.constant 128 : i32
      %add3A_332 = arith.addi %add3A_331, %scan3A_296 : i32
      %get3A_333 = arith.index_cast %add3A_332 : i32 to index
      %get3A_334 = arith.constant 32 : index
      %get3A_335 = tpu.vector_load %arg7[%get3A_333, %get3A_334] {strides = array<i32>} : memref<256x128xf32, #tpu.memory_space<vmem>>, vector<1x16xf32>,
      %get3A_336 = vector.shape_cast %get3A_335 : vector<1x16xf32> to vector<16xf32>
      %add3A_337 = arith.addf %get3A_330, %get3A_336 : vector<16xf32>
      %swap3A_338 = arith.index_cast %scan3A_296 : i32 to index
      %swap3A_339 = arith.constant 32 : index
      %swap3A_340 = tpu.vector_load %arg12[%swap3A_338, %swap3A_339] {strides = array<i32>} : memref<128x128xf32, #tpu.memory_space<vmem>>, vector<1x16xf32>,
      %swap3A_341 = vector.shape_cast %swap3A_340 : vector<1x16xf32> to vector<16xf32>
      %swap3A_342 = vector.shape_cast %add3A_337 : vector<16xf32> to vector<1x16xf32>
      tpu.vector_store %arg12[%swap3A_338, %swap3A_339], %swap3A_342 {strides = array<i32>} : memref<128x128xf32, #tpu.memory_space<vmem>>, vector<1x16xf32>,
      %get3A_343 = arith.index_cast %scan3A_296 : i32 to index
      %get3A_344 = arith.constant 48 : index
      %get3A_345 = tpu.vector_load %arg9[%get3A_343, %get3A_344] {strides = array<i32>} : memref<128x128xf32, #tpu.memory_space<vmem>>, vector<1x16xf32>,
      %get3A_346 = vector.shape_cast %get3A_345 : vector<1x16xf32> to vector<16xf32>
      %add3A_347 = arith.constant 128 : i32
      %add3A_348 = arith.addi %add3A_347, %scan3A_296 : i32
      %get3A_349 = arith.index_cast %add3A_348 : i32 to index
      %get3A_350 = arith.constant 48 : index
      %get3A_351 = tpu.vector_load %arg7[%get3A_349, %get3A_350] {strides = array<i32>} : memref<256x128xf32, #tpu.memory_space<vmem>>, vector<1x16xf32>,
      %get3A_352 = vector.shape_cast %get3A_351 : vector<1x16xf32> to vector<16xf32>
      %add3A_353 = arith.addf %get3A_346, %get3A_352 : vector<16xf32>
      %swap3A_354 = arith.index_cast %scan3A_296 : i32 to index
      %swap3A_355 = arith.constant 48 : index
      %swap3A_356 = tpu.vector_load %arg12[%swap3A_354, %swap3A_355] {strides = array<i32>} : memref<128x128xf32, #tpu.memory_space<vmem>>, vector<1x16xf32>,
      %swap3A_357 = vector.shape_cast %swap3A_356 : vector<1x16xf32> to vector<16xf32>
      %swap3A_358 = vector.shape_cast %add3A_353 : vector<16xf32> to vector<1x16xf32>
      tpu.vector_store %arg12[%swap3A_354, %swap3A_355], %swap3A_358 {strides = array<i32>} : memref<128x128xf32, #tpu.memory_space<vmem>>, vector<1x16xf32>,
      %get3A_359 = arith.index_cast %scan3A_296 : i32 to index
      %get3A_360 = arith.constant 64 : index
      %get3A_361 = tpu.vector_load %arg9[%get3A_359, %get3A_360] {strides = array<i32>} : memref<128x128xf32, #tpu.memory_space<vmem>>, vector<1x16xf32>,
      %get3A_362 = vector.shape_cast %get3A_361 : vector<1x16xf32> to vector<16xf32>
      %add3A_363 = arith.constant 128 : i32
      %add3A_364 = arith.addi %add3A_363, %scan3A_296 : i32
      %get3A_365 = arith.index_cast %add3A_364 : i32 to index
      %get3A_366 = arith.constant 64 : index
      %get3A_367 = tpu.vector_load %arg7[%get3A_365, %get3A_366] {strides = array<i32>} : memref<256x128xf32, #tpu.memory_space<vmem>>, vector<1x16xf32>,
      %get3A_368 = vector.shape_cast %get3A_367 : vector<1x16xf32> to vector<16xf32>
      %add3A_369 = arith.addf %get3A_362, %get3A_368 : vector<16xf32>
      %swap3A_370 = arith.index_cast %scan3A_296 : i32 to index
      %swap3A_371 = arith.constant 64 : index
      %swap3A_372 = tpu.vector_load %arg12[%swap3A_370, %swap3A_371] {strides = array<i32>} : memref<128x128xf32, #tpu.memory_space<vmem>>, vector<1x16xf32>,
      %swap3A_373 = vector.shape_cast %swap3A_372 : vector<1x16xf32> to vector<16xf32>
      %swap3A_374 = vector.shape_cast %add3A_369 : vector<16xf32> to vector<1x16xf32>
      tpu.vector_store %arg12[%swap3A_370, %swap3A_371], %swap3A_374 {strides = array<i32>} : memref<128x128xf32, #tpu.memory_space<vmem>>, vector<1x16xf32>,
      %get3A_375 = arith.index_cast %scan3A_296 : i32 to index
      %get3A_376 = arith.constant 80 : index
      %get3A_377 = tpu.vector_load %arg9[%get3A_375, %get3A_376] {strides = array<i32>} : memref<128x128xf32, #tpu.memory_space<vmem>>, vector<1x16xf32>,
      %get3A_378 = vector.shape_cast %get3A_377 : vector<1x16xf32> to vector<16xf32>
      %add3A_379 = arith.constant 128 : i32
      %add3A_380 = arith.addi %add3A_379, %scan3A_296 : i32
      %get3A_381 = arith.index_cast %add3A_380 : i32 to index
      %get3A_382 = arith.constant 80 : index
      %get3A_383 = tpu.vector_load %arg7[%get3A_381, %get3A_382] {strides = array<i32>} : memref<256x128xf32, #tpu.memory_space<vmem>>, vector<1x16xf32>,
      %get3A_384 = vector.shape_cast %get3A_383 : vector<1x16xf32> to vector<16xf32>
      %add3A_385 = arith.addf %get3A_378, %get3A_384 : vector<16xf32>
      %swap3A_386 = arith.index_cast %scan3A_296 : i32 to index
      %swap3A_387 = arith.constant 80 : index
      %swap3A_388 = tpu.vector_load %arg12[%swap3A_386, %swap3A_387] {strides = array<i32>} : memref<128x128xf32, #tpu.memory_space<vmem>>, vector<1x16xf32>,
      %swap3A_389 = vector.shape_cast %swap3A_388 : vector<1x16xf32> to vector<16xf32>
      %swap3A_390 = vector.shape_cast %add3A_385 : vector<16xf32> to vector<1x16xf32>
      tpu.vector_store %arg12[%swap3A_386, %swap3A_387], %swap3A_390 {strides = array<i32>} : memref<128x128xf32, #tpu.memory_space<vmem>>, vector<1x16xf32>,
      %get3A_391 = arith.index_cast %scan3A_296 : i32 to index
      %get3A_392 = arith.constant 96 : index
      %get3A_393 = tpu.vector_load %arg9[%get3A_391, %get3A_392] {strides = array<i32>} : memref<128x128xf32, #tpu.memory_space<vmem>>, vector<1x16xf32>,
      %get3A_394 = vector.shape_cast %get3A_393 : vector<1x16xf32> to vector<16xf32>
      %add3A_395 = arith.constant 128 : i32
      %add3A_396 = arith.addi %add3A_395, %scan3A_296 : i32
      %get3A_397 = arith.index_cast %add3A_396 : i32 to index
      %get3A_398 = arith.constant 96 : index
      %get3A_399 = tpu.vector_load %arg7[%get3A_397, %get3A_398] {strides = array<i32>} : memref<256x128xf32, #tpu.memory_space<vmem>>, vector<1x16xf32>,
      %get3A_400 = vector.shape_cast %get3A_399 : vector<1x16xf32> to vector<16xf32>
      %add3A_401 = arith.addf %get3A_394, %get3A_400 : vector<16xf32>
      %swap3A_402 = arith.index_cast %scan3A_296 : i32 to index
      %swap3A_403 = arith.constant 96 : index
      %swap3A_404 = tpu.vector_load %arg12[%swap3A_402, %swap3A_403] {strides = array<i32>} : memref<128x128xf32, #tpu.memory_space<vmem>>, vector<1x16xf32>,
      %swap3A_405 = vector.shape_cast %swap3A_404 : vector<1x16xf32> to vector<16xf32>
      %swap3A_406 = vector.shape_cast %add3A_401 : vector<16xf32> to vector<1x16xf32>
      tpu.vector_store %arg12[%swap3A_402, %swap3A_403], %swap3A_406 {strides = array<i32>} : memref<128x128xf32, #tpu.memory_space<vmem>>, vector<1x16xf32>,
      %get3A_407 = arith.index_cast %scan3A_296 : i32 to index
      %get3A_408 = arith.constant 112 : index
      %get3A_409 = tpu.vector_load %arg9[%get3A_407, %get3A_408] {strides = array<i32>} : memref<128x128xf32, #tpu.memory_space<vmem>>, vector<1x16xf32>,
      %get3A_410 = vector.shape_cast %get3A_409 : vector<1x16xf32> to vector<16xf32>
      %add3A_411 = arith.constant 128 : i32
      %add3A_412 = arith.addi %add3A_411, %scan3A_296 : i32
      %get3A_413 = arith.index_cast %add3A_412 : i32 to index
      %get3A_414 = arith.constant 112 : index
      %get3A_415 = tpu.vector_load %arg7[%get3A_413, %get3A_414] {strides = array<i32>} : memref<256x128xf32, #tpu.memory_space<vmem>>, vector<1x16xf32>,
      %get3A_416 = vector.shape_cast %get3A_415 : vector<1x16xf32> to vector<16xf32>
      %add3A_417 = arith.addf %get3A_410, %get3A_416 : vector<16xf32>
      %swap3A_418 = arith.index_cast %scan3A_296 : i32 to index
      %swap3A_419 = arith.constant 112 : index
      %swap3A_420 = tpu.vector_load %arg12[%swap3A_418, %swap3A_419] {strides = array<i32>} : memref<128x128xf32, #tpu.memory_space<vmem>>, vector<1x16xf32>,
      %swap3A_421 = vector.shape_cast %swap3A_420 : vector<1x16xf32> to vector<16xf32>
      %swap3A_422 = vector.shape_cast %add3A_417 : vector<16xf32> to vector<1x16xf32>
      tpu.vector_store %arg12[%swap3A_418, %swap3A_419], %swap3A_422 {strides = array<i32>} : memref<128x128xf32, #tpu.memory_space<vmem>>, vector<1x16xf32>,
    }
    %scan3A_70 = arith.constant 128 : i32
    %dma_start3A_71 = arith.constant 2 : i32
    %dma_start3A_72 = arith.constant 0 : i32
    %dma_start3A_73 = tpu.memref_slice %arg6[%dma_start3A_71, %dma_start3A_72] : memref<4x256xi32, #tpu.memory_space<vmem>> -> memref<1x128xi32, #tpu.memory_space<vmem>>
    %dma_start3A_74 = tpu.memref_squeeze %dma_start3A_73 : memref<1x128xi32, #tpu.memory_space<vmem>> -> memref<128xi32, #tpu.memory_space<vmem>>
    %dma_start3A_75 = arith.constant 0 : i32
    %dma_start3A_76 = arith.constant 0 : i32
    %dma_start3A_77 = tpu.memref_slice %arg3[%dma_start3A_75, %dma_start3A_76] : memref<100000x128xf32, #tpu.memory_space<hbm>> -> memref<100000x128xf32, #tpu.memory_space<hbm>>
    tpu.enqueue_indirect_dma source(%dma_start3A_77 : memref<100000x128xf32, #tpu.memory_space<hbm>>) target(%arg9 : memref<128x128xf32, #tpu.memory_space<vmem>>) offsets(%dma_start3A_74 : memref<128xi32, #tpu.memory_space<vmem>>) semaphore(%arg14 : memref<!tpu.dma_semaphore, #tpu.memory_space<semaphore_mem>>)
    %add3A_78 = arith.constant 128 : i32
    %add3A_79 = arith.addi %mul3A_2, %add3A_78 : i32
    %dma_start3A_80 = arith.constant 0 : i32
    %dma_start3A_81 = arith.constant 0 : i32
    %dma_start3A_82 = tpu.memref_slice %arg5[%dma_start3A_80, %add3A_79, %dma_start3A_81] : memref<4x8192x128xf32, #tpu.memory_space<hbm>> -> memref<1x128x128xf32, #tpu.memory_space<hbm>>
    %dma_start3A_83 = tpu.memref_squeeze %dma_start3A_82 : memref<1x128x128xf32, #tpu.memory_space<hbm>> -> memref<128x128xf32, #tpu.memory_space<hbm>>
    %dma_start3A_84 = arith.constant 0 : i32
    %dma_start3A_85 = tpu.memref_slice %arg5[%dma_start3A_80, %add3A_79, %dma_start3A_84] : memref<4x8192x128xf32, #tpu.memory_space<hbm>> -> memref<1x128x128xf32, #tpu.memory_space<hbm>>
    %dma_start3A_86 = tpu.memref_squeeze %dma_start3A_85 : memref<1x128x128xf32, #tpu.memory_space<hbm>> -> memref<128x128xf32, #tpu.memory_space<hbm>>
    tpu.enqueue_dma source(%arg12 : memref<128x128xf32, #tpu.memory_space<vmem>>) target(%dma_start3A_86 : memref<128x128xf32, #tpu.memory_space<hbm>>) target_semaphore(%arg17 : memref<!tpu.dma_semaphore, #tpu.memory_space<semaphore_mem>>)
    %dma_wait3A_87 = arith.constant 1 : i32
    %dma_wait3A_88 = arith.constant 0 : i32
    %dma_wait3A_89 = tpu.memref_slice %arg6[%dma_wait3A_87, %dma_wait3A_88] : memref<4x256xi32, #tpu.memory_space<vmem>> -> memref<1x128xi32, #tpu.memory_space<vmem>>
    %dma_wait3A_90 = tpu.memref_squeeze %dma_wait3A_89 : memref<1x128xi32, #tpu.memory_space<vmem>> -> memref<128xi32, #tpu.memory_space<vmem>>
    %dma_wait3A_91 = arith.constant 0 : i32
    %dma_wait3A_92 = arith.constant 0 : i32
    %dma_wait3A_93 = tpu.memref_slice %arg3[%dma_wait3A_91, %dma_wait3A_92] : memref<100000x128xf32, #tpu.memory_space<hbm>> -> memref<100000x128xf32, #tpu.memory_space<hbm>>
    tpu.wait_indirect_dma semaphore(%arg15 : memref<!tpu.dma_semaphore, #tpu.memory_space<semaphore_mem>>) src(%dma_wait3A_93 : memref<100000x128xf32, #tpu.memory_space<hbm>>) dst(%arg10 : memref<128x128xf32, #tpu.memory_space<vmem>>)
    %dma_wait3A_94 = arith.constant 0 : i32
    %dma_wait3A_95 = arith.constant 0 : i32
    %dma_wait3A_96 = tpu.memref_slice %arg5[%dma_wait3A_94, %add3A_50, %dma_wait3A_95] : memref<4x8192x128xf32, #tpu.memory_space<hbm>> -> memref<1x128x128xf32, #tpu.memory_space<hbm>>
    %dma_wait3A_97 = tpu.memref_squeeze %dma_wait3A_96 : memref<1x128x128xf32, #tpu.memory_space<hbm>> -> memref<128x128xf32, #tpu.memory_space<hbm>>
    %dma_wait3A_98 = arith.constant 0 : i32
    %dma_wait3A_99 = tpu.memref_slice %arg5[%dma_wait3A_94, %add3A_50, %dma_wait3A_98] : memref<4x8192x128xf32, #tpu.memory_space<hbm>> -> memref<1x128x128xf32, #tpu.memory_space<hbm>>
    %dma_wait3A_100 = tpu.memref_squeeze %dma_wait3A_99 : memref<1x128x128xf32, #tpu.memory_space<hbm>> -> memref<128x128xf32, #tpu.memory_space<hbm>>
    tpu.wait_dma2 semaphore(%arg16 : memref<!tpu.dma_semaphore, #tpu.memory_space<semaphore_mem>>) src(%arg11 : memref<128x128xf32, #tpu.memory_space<vmem>>) dst(%dma_wait3A_100 : memref<128x128xf32, #tpu.memory_space<hbm>>)
    %scan3A_101 = arith.constant 0 : i32
    %scan3A_102 = arith.constant 0 : i32
    %scan3A_103 = arith.constant 128 : i32
    %scan3A_104 = arith.addi %scan3A_102, %scan3A_103 : i32
    %scan3A_105 = arith.constant 1 : i32
    scf.for %scan3A_296 = %scan3A_102 to %scan3A_104 step %scan3A_105  : i32 {
      %get3A = arith.index_cast %scan3A_296 : i32 to index
      %get3A_297 = arith.constant 0 : index
      %get3A_298 = tpu.vector_load %arg10[%get3A, %get3A_297] {strides = array<i32>} : memref<128x128xf32, #tpu.memory_space<vmem>>, vector<1x16xf32>,
      %get3A_299 = vector.shape_cast %get3A_298 : vector<1x16xf32> to vector<16xf32>
      %add3A_300 = arith.constant 0 : i32
      %add3A_301 = arith.addi %add3A_300, %scan3A_296 : i32
      %get3A_302 = arith.index_cast %add3A_301 : i32 to index
      %get3A_303 = arith.constant 0 : index
      %get3A_304 = tpu.vector_load %arg7[%get3A_302, %get3A_303] {strides = array<i32>} : memref<256x128xf32, #tpu.memory_space<vmem>>, vector<1x16xf32>,
      %get3A_305 = vector.shape_cast %get3A_304 : vector<1x16xf32> to vector<16xf32>
      %add3A_306 = arith.addf %get3A_299, %get3A_305 : vector<16xf32>
      %swap3A = arith.index_cast %scan3A_296 : i32 to index
      %swap3A_307 = arith.constant 0 : index
      %swap3A_308 = tpu.vector_load %arg11[%swap3A, %swap3A_307] {strides = array<i32>} : memref<128x128xf32, #tpu.memory_space<vmem>>, vector<1x16xf32>,
      %swap3A_309 = vector.shape_cast %swap3A_308 : vector<1x16xf32> to vector<16xf32>
      %swap3A_310 = vector.shape_cast %add3A_306 : vector<16xf32> to vector<1x16xf32>
      tpu.vector_store %arg11[%swap3A, %swap3A_307], %swap3A_310 {strides = array<i32>} : memref<128x128xf32, #tpu.memory_space<vmem>>, vector<1x16xf32>,
      %get3A_311 = arith.index_cast %scan3A_296 : i32 to index
      %get3A_312 = arith.constant 16 : index
      %get3A_313 = tpu.vector_load %arg10[%get3A_311, %get3A_312] {strides = array<i32>} : memref<128x128xf32, #tpu.memory_space<vmem>>, vector<1x16xf32>,
      %get3A_314 = vector.shape_cast %get3A_313 : vector<1x16xf32> to vector<16xf32>
      %add3A_315 = arith.constant 0 : i32
      %add3A_316 = arith.addi %add3A_315, %scan3A_296 : i32
      %get3A_317 = arith.index_cast %add3A_316 : i32 to index
      %get3A_318 = arith.constant 16 : index
      %get3A_319 = tpu.vector_load %arg7[%get3A_317, %get3A_318] {strides = array<i32>} : memref<256x128xf32, #tpu.memory_space<vmem>>, vector<1x16xf32>,
      %get3A_320 = vector.shape_cast %get3A_319 : vector<1x16xf32> to vector<16xf32>
      %add3A_321 = arith.addf %get3A_314, %get3A_320 : vector<16xf32>
      %swap3A_322 = arith.index_cast %scan3A_296 : i32 to index
      %swap3A_323 = arith.constant 16 : index
      %swap3A_324 = tpu.vector_load %arg11[%swap3A_322, %swap3A_323] {strides = array<i32>} : memref<128x128xf32, #tpu.memory_space<vmem>>, vector<1x16xf32>,
      %swap3A_325 = vector.shape_cast %swap3A_324 : vector<1x16xf32> to vector<16xf32>
      %swap3A_326 = vector.shape_cast %add3A_321 : vector<16xf32> to vector<1x16xf32>
      tpu.vector_store %arg11[%swap3A_322, %swap3A_323], %swap3A_326 {strides = array<i32>} : memref<128x128xf32, #tpu.memory_space<vmem>>, vector<1x16xf32>,
      %get3A_327 = arith.index_cast %scan3A_296 : i32 to index
      %get3A_328 = arith.constant 32 : index
      %get3A_329 = tpu.vector_load %arg10[%get3A_327, %get3A_328] {strides = array<i32>} : memref<128x128xf32, #tpu.memory_space<vmem>>, vector<1x16xf32>,
      %get3A_330 = vector.shape_cast %get3A_329 : vector<1x16xf32> to vector<16xf32>
      %add3A_331 = arith.constant 0 : i32
      %add3A_332 = arith.addi %add3A_331, %scan3A_296 : i32
      %get3A_333 = arith.index_cast %add3A_332 : i32 to index
      %get3A_334 = arith.constant 32 : index
      %get3A_335 = tpu.vector_load %arg7[%get3A_333, %get3A_334] {strides = array<i32>} : memref<256x128xf32, #tpu.memory_space<vmem>>, vector<1x16xf32>,
      %get3A_336 = vector.shape_cast %get3A_335 : vector<1x16xf32> to vector<16xf32>
      %add3A_337 = arith.addf %get3A_330, %get3A_336 : vector<16xf32>
      %swap3A_338 = arith.index_cast %scan3A_296 : i32 to index
      %swap3A_339 = arith.constant 32 : index
      %swap3A_340 = tpu.vector_load %arg11[%swap3A_338, %swap3A_339] {strides = array<i32>} : memref<128x128xf32, #tpu.memory_space<vmem>>, vector<1x16xf32>,
      %swap3A_341 = vector.shape_cast %swap3A_340 : vector<1x16xf32> to vector<16xf32>
      %swap3A_342 = vector.shape_cast %add3A_337 : vector<16xf32> to vector<1x16xf32>
      tpu.vector_store %arg11[%swap3A_338, %swap3A_339], %swap3A_342 {strides = array<i32>} : memref<128x128xf32, #tpu.memory_space<vmem>>, vector<1x16xf32>,
      %get3A_343 = arith.index_cast %scan3A_296 : i32 to index
      %get3A_344 = arith.constant 48 : index
      %get3A_345 = tpu.vector_load %arg10[%get3A_343, %get3A_344] {strides = array<i32>} : memref<128x128xf32, #tpu.memory_space<vmem>>, vector<1x16xf32>,
      %get3A_346 = vector.shape_cast %get3A_345 : vector<1x16xf32> to vector<16xf32>
      %add3A_347 = arith.constant 0 : i32
      %add3A_348 = arith.addi %add3A_347, %scan3A_296 : i32
      %get3A_349 = arith.index_cast %add3A_348 : i32 to index
      %get3A_350 = arith.constant 48 : index
      %get3A_351 = tpu.vector_load %arg7[%get3A_349, %get3A_350] {strides = array<i32>} : memref<256x128xf32, #tpu.memory_space<vmem>>, vector<1x16xf32>,
      %get3A_352 = vector.shape_cast %get3A_351 : vector<1x16xf32> to vector<16xf32>
      %add3A_353 = arith.addf %get3A_346, %get3A_352 : vector<16xf32>
      %swap3A_354 = arith.index_cast %scan3A_296 : i32 to index
      %swap3A_355 = arith.constant 48 : index
      %swap3A_356 = tpu.vector_load %arg11[%swap3A_354, %swap3A_355] {strides = array<i32>} : memref<128x128xf32, #tpu.memory_space<vmem>>, vector<1x16xf32>,
      %swap3A_357 = vector.shape_cast %swap3A_356 : vector<1x16xf32> to vector<16xf32>
      %swap3A_358 = vector.shape_cast %add3A_353 : vector<16xf32> to vector<1x16xf32>
      tpu.vector_store %arg11[%swap3A_354, %swap3A_355], %swap3A_358 {strides = array<i32>} : memref<128x128xf32, #tpu.memory_space<vmem>>, vector<1x16xf32>,
      %get3A_359 = arith.index_cast %scan3A_296 : i32 to index
      %get3A_360 = arith.constant 64 : index
      %get3A_361 = tpu.vector_load %arg10[%get3A_359, %get3A_360] {strides = array<i32>} : memref<128x128xf32, #tpu.memory_space<vmem>>, vector<1x16xf32>,
      %get3A_362 = vector.shape_cast %get3A_361 : vector<1x16xf32> to vector<16xf32>
      %add3A_363 = arith.constant 0 : i32
      %add3A_364 = arith.addi %add3A_363, %scan3A_296 : i32
      %get3A_365 = arith.index_cast %add3A_364 : i32 to index
      %get3A_366 = arith.constant 64 : index
      %get3A_367 = tpu.vector_load %arg7[%get3A_365, %get3A_366] {strides = array<i32>} : memref<256x128xf32, #tpu.memory_space<vmem>>, vector<1x16xf32>,
      %get3A_368 = vector.shape_cast %get3A_367 : vector<1x16xf32> to vector<16xf32>
      %add3A_369 = arith.addf %get3A_362, %get3A_368 : vector<16xf32>
      %swap3A_370 = arith.index_cast %scan3A_296 : i32 to index
      %swap3A_371 = arith.constant 64 : index
      %swap3A_372 = tpu.vector_load %arg11[%swap3A_370, %swap3A_371] {strides = array<i32>} : memref<128x128xf32, #tpu.memory_space<vmem>>, vector<1x16xf32>,
      %swap3A_373 = vector.shape_cast %swap3A_372 : vector<1x16xf32> to vector<16xf32>
      %swap3A_374 = vector.shape_cast %add3A_369 : vector<16xf32> to vector<1x16xf32>
      tpu.vector_store %arg11[%swap3A_370, %swap3A_371], %swap3A_374 {strides = array<i32>} : memref<128x128xf32, #tpu.memory_space<vmem>>, vector<1x16xf32>,
      %get3A_375 = arith.index_cast %scan3A_296 : i32 to index
      %get3A_376 = arith.constant 80 : index
      %get3A_377 = tpu.vector_load %arg10[%get3A_375, %get3A_376] {strides = array<i32>} : memref<128x128xf32, #tpu.memory_space<vmem>>, vector<1x16xf32>,
      %get3A_378 = vector.shape_cast %get3A_377 : vector<1x16xf32> to vector<16xf32>
      %add3A_379 = arith.constant 0 : i32
      %add3A_380 = arith.addi %add3A_379, %scan3A_296 : i32
      %get3A_381 = arith.index_cast %add3A_380 : i32 to index
      %get3A_382 = arith.constant 80 : index
      %get3A_383 = tpu.vector_load %arg7[%get3A_381, %get3A_382] {strides = array<i32>} : memref<256x128xf32, #tpu.memory_space<vmem>>, vector<1x16xf32>,
      %get3A_384 = vector.shape_cast %get3A_383 : vector<1x16xf32> to vector<16xf32>
      %add3A_385 = arith.addf %get3A_378, %get3A_384 : vector<16xf32>
      %swap3A_386 = arith.index_cast %scan3A_296 : i32 to index
      %swap3A_387 = arith.constant 80 : index
      %swap3A_388 = tpu.vector_load %arg11[%swap3A_386, %swap3A_387] {strides = array<i32>} : memref<128x128xf32, #tpu.memory_space<vmem>>, vector<1x16xf32>,
      %swap3A_389 = vector.shape_cast %swap3A_388 : vector<1x16xf32> to vector<16xf32>
      %swap3A_390 = vector.shape_cast %add3A_385 : vector<16xf32> to vector<1x16xf32>
      tpu.vector_store %arg11[%swap3A_386, %swap3A_387], %swap3A_390 {strides = array<i32>} : memref<128x128xf32, #tpu.memory_space<vmem>>, vector<1x16xf32>,
      %get3A_391 = arith.index_cast %scan3A_296 : i32 to index
      %get3A_392 = arith.constant 96 : index
      %get3A_393 = tpu.vector_load %arg10[%get3A_391, %get3A_392] {strides = array<i32>} : memref<128x128xf32, #tpu.memory_space<vmem>>, vector<1x16xf32>,
      %get3A_394 = vector.shape_cast %get3A_393 : vector<1x16xf32> to vector<16xf32>
      %add3A_395 = arith.constant 0 : i32
      %add3A_396 = arith.addi %add3A_395, %scan3A_296 : i32
      %get3A_397 = arith.index_cast %add3A_396 : i32 to index
      %get3A_398 = arith.constant 96 : index
      %get3A_399 = tpu.vector_load %arg7[%get3A_397, %get3A_398] {strides = array<i32>} : memref<256x128xf32, #tpu.memory_space<vmem>>, vector<1x16xf32>,
      %get3A_400 = vector.shape_cast %get3A_399 : vector<1x16xf32> to vector<16xf32>
      %add3A_401 = arith.addf %get3A_394, %get3A_400 : vector<16xf32>
      %swap3A_402 = arith.index_cast %scan3A_296 : i32 to index
      %swap3A_403 = arith.constant 96 : index
      %swap3A_404 = tpu.vector_load %arg11[%swap3A_402, %swap3A_403] {strides = array<i32>} : memref<128x128xf32, #tpu.memory_space<vmem>>, vector<1x16xf32>,
      %swap3A_405 = vector.shape_cast %swap3A_404 : vector<1x16xf32> to vector<16xf32>
      %swap3A_406 = vector.shape_cast %add3A_401 : vector<16xf32> to vector<1x16xf32>
      tpu.vector_store %arg11[%swap3A_402, %swap3A_403], %swap3A_406 {strides = array<i32>} : memref<128x128xf32, #tpu.memory_space<vmem>>, vector<1x16xf32>,
      %get3A_407 = arith.index_cast %scan3A_296 : i32 to index
      %get3A_408 = arith.constant 112 : index
      %get3A_409 = tpu.vector_load %arg10[%get3A_407, %get3A_408] {strides = array<i32>} : memref<128x128xf32, #tpu.memory_space<vmem>>, vector<1x16xf32>,
      %get3A_410 = vector.shape_cast %get3A_409 : vector<1x16xf32> to vector<16xf32>
      %add3A_411 = arith.constant 0 : i32
      %add3A_412 = arith.addi %add3A_411, %scan3A_296 : i32
      %get3A_413 = arith.index_cast %add3A_412 : i32 to index
      %get3A_414 = arith.constant 112 : index
      %get3A_415 = tpu.vector_load %arg7[%get3A_413, %get3A_414] {strides = array<i32>} : memref<256x128xf32, #tpu.memory_space<vmem>>, vector<1x16xf32>,
      %get3A_416 = vector.shape_cast %get3A_415 : vector<1x16xf32> to vector<16xf32>
      %add3A_417 = arith.addf %get3A_410, %get3A_416 : vector<16xf32>
      %swap3A_418 = arith.index_cast %scan3A_296 : i32 to index
      %swap3A_419 = arith.constant 112 : index
      %swap3A_420 = tpu.vector_load %arg11[%swap3A_418, %swap3A_419] {strides = array<i32>} : memref<128x128xf32, #tpu.memory_space<vmem>>, vector<1x16xf32>,
      %swap3A_421 = vector.shape_cast %swap3A_420 : vector<1x16xf32> to vector<16xf32>
      %swap3A_422 = vector.shape_cast %add3A_417 : vector<16xf32> to vector<1x16xf32>
      tpu.vector_store %arg11[%swap3A_418, %swap3A_419], %swap3A_422 {strides = array<i32>} : memref<128x128xf32, #tpu.memory_space<vmem>>, vector<1x16xf32>,
    }
    %scan3A_106 = arith.constant 128 : i32
    %dma_start3A_107 = arith.constant 2 : i32
    %dma_start3A_108 = arith.constant 128 : i32
    %dma_start3A_109 = tpu.memref_slice %arg6[%dma_start3A_107, %dma_start3A_108] : memref<4x256xi32, #tpu.memory_space<vmem>> -> memref<1x128xi32, #tpu.memory_space<vmem>>
    %dma_start3A_110 = tpu.memref_squeeze %dma_start3A_109 : memref<1x128xi32, #tpu.memory_space<vmem>> -> memref<128xi32, #tpu.memory_space<vmem>>
    %dma_start3A_111 = arith.constant 0 : i32
    %dma_start3A_112 = arith.constant 0 : i32
    %dma_start3A_113 = tpu.memref_slice %arg3[%dma_start3A_111, %dma_start3A_112] : memref<100000x128xf32, #tpu.memory_space<hbm>> -> memref<100000x128xf32, #tpu.memory_space<hbm>>
    tpu.enqueue_indirect_dma source(%dma_start3A_113 : memref<100000x128xf32, #tpu.memory_space<hbm>>) target(%arg10 : memref<128x128xf32, #tpu.memory_space<vmem>>) offsets(%dma_start3A_110 : memref<128xi32, #tpu.memory_space<vmem>>) semaphore(%arg15 : memref<!tpu.dma_semaphore, #tpu.memory_space<semaphore_mem>>)
    %add3A_114 = arith.constant 0 : i32
    %add3A_115 = arith.addi %mul3A_2, %add3A_114 : i32
    %dma_start3A_116 = arith.constant 1 : i32
    %dma_start3A_117 = arith.constant 0 : i32
    %dma_start3A_118 = tpu.memref_slice %arg5[%dma_start3A_116, %add3A_115, %dma_start3A_117] : memref<4x8192x128xf32, #tpu.memory_space<hbm>> -> memref<1x128x128xf32, #tpu.memory_space<hbm>>
    %dma_start3A_119 = tpu.memref_squeeze %dma_start3A_118 : memref<1x128x128xf32, #tpu.memory_space<hbm>> -> memref<128x128xf32, #tpu.memory_space<hbm>>
    %dma_start3A_120 = arith.constant 0 : i32
    %dma_start3A_121 = tpu.memref_slice %arg5[%dma_start3A_116, %add3A_115, %dma_start3A_120] : memref<4x8192x128xf32, #tpu.memory_space<hbm>> -> memref<1x128x128xf32, #tpu.memory_space<hbm>>
    %dma_start3A_122 = tpu.memref_squeeze %dma_start3A_121 : memref<1x128x128xf32, #tpu.memory_space<hbm>> -> memref<128x128xf32, #tpu.memory_space<hbm>>
    tpu.enqueue_dma source(%arg11 : memref<128x128xf32, #tpu.memory_space<vmem>>) target(%dma_start3A_122 : memref<128x128xf32, #tpu.memory_space<hbm>>) target_semaphore(%arg16 : memref<!tpu.dma_semaphore, #tpu.memory_space<semaphore_mem>>)
    %dma_wait3A_123 = arith.constant 1 : i32
    %dma_wait3A_124 = arith.constant 128 : i32
    %dma_wait3A_125 = tpu.memref_slice %arg6[%dma_wait3A_123, %dma_wait3A_124] : memref<4x256xi32, #tpu.memory_space<vmem>> -> memref<1x128xi32, #tpu.memory_space<vmem>>
    %dma_wait3A_126 = tpu.memref_squeeze %dma_wait3A_125 : memref<1x128xi32, #tpu.memory_space<vmem>> -> memref<128xi32, #tpu.memory_space<vmem>>
    %dma_wait3A_127 = arith.constant 0 : i32
    %dma_wait3A_128 = arith.constant 0 : i32
    %dma_wait3A_129 = tpu.memref_slice %arg3[%dma_wait3A_127, %dma_wait3A_128] : memref<100000x128xf32, #tpu.memory_space<hbm>> -> memref<100000x128xf32, #tpu.memory_space<hbm>>
    tpu.wait_indirect_dma semaphore(%arg13 : memref<!tpu.dma_semaphore, #tpu.memory_space<semaphore_mem>>) src(%dma_wait3A_129 : memref<100000x128xf32, #tpu.memory_space<hbm>>) dst(%arg8 : memref<128x128xf32, #tpu.memory_space<vmem>>)
    %dma_wait3A_130 = arith.constant 0 : i32
    %dma_wait3A_131 = arith.constant 0 : i32
    %dma_wait3A_132 = tpu.memref_slice %arg5[%dma_wait3A_130, %add3A_79, %dma_wait3A_131] : memref<4x8192x128xf32, #tpu.memory_space<hbm>> -> memref<1x128x128xf32, #tpu.memory_space<hbm>>
    %dma_wait3A_133 = tpu.memref_squeeze %dma_wait3A_132 : memref<1x128x128xf32, #tpu.memory_space<hbm>> -> memref<128x128xf32, #tpu.memory_space<hbm>>
    %dma_wait3A_134 = arith.constant 0 : i32
    %dma_wait3A_135 = tpu.memref_slice %arg5[%dma_wait3A_130, %add3A_79, %dma_wait3A_134] : memref<4x8192x128xf32, #tpu.memory_space<hbm>> -> memref<1x128x128xf32, #tpu.memory_space<hbm>>
    %dma_wait3A_136 = tpu.memref_squeeze %dma_wait3A_135 : memref<1x128x128xf32, #tpu.memory_space<hbm>> -> memref<128x128xf32, #tpu.memory_space<hbm>>
    tpu.wait_dma2 semaphore(%arg17 : memref<!tpu.dma_semaphore, #tpu.memory_space<semaphore_mem>>) src(%arg12 : memref<128x128xf32, #tpu.memory_space<vmem>>) dst(%dma_wait3A_136 : memref<128x128xf32, #tpu.memory_space<hbm>>)
    %scan3A_137 = arith.constant 0 : i32
    %scan3A_138 = arith.constant 0 : i32
    %scan3A_139 = arith.constant 128 : i32
    %scan3A_140 = arith.addi %scan3A_138, %scan3A_139 : i32
    %scan3A_141 = arith.constant 1 : i32
    scf.for %scan3A_296 = %scan3A_138 to %scan3A_140 step %scan3A_141  : i32 {
      %get3A = arith.index_cast %scan3A_296 : i32 to index
      %get3A_297 = arith.constant 0 : index
      %get3A_298 = tpu.vector_load %arg8[%get3A, %get3A_297] {strides = array<i32>} : memref<128x128xf32, #tpu.memory_space<vmem>>, vector<1x16xf32>,
      %get3A_299 = vector.shape_cast %get3A_298 : vector<1x16xf32> to vector<16xf32>
      %add3A_300 = arith.constant 128 : i32
      %add3A_301 = arith.addi %add3A_300, %scan3A_296 : i32
      %get3A_302 = arith.index_cast %add3A_301 : i32 to index
      %get3A_303 = arith.constant 0 : index
      %get3A_304 = tpu.vector_load %arg7[%get3A_302, %get3A_303] {strides = array<i32>} : memref<256x128xf32, #tpu.memory_space<vmem>>, vector<1x16xf32>,
      %get3A_305 = vector.shape_cast %get3A_304 : vector<1x16xf32> to vector<16xf32>
      %add3A_306 = arith.addf %get3A_299, %get3A_305 : vector<16xf32>
      %swap3A = arith.index_cast %scan3A_296 : i32 to index
      %swap3A_307 = arith.constant 0 : index
      %swap3A_308 = tpu.vector_load %arg12[%swap3A, %swap3A_307] {strides = array<i32>} : memref<128x128xf32, #tpu.memory_space<vmem>>, vector<1x16xf32>,
      %swap3A_309 = vector.shape_cast %swap3A_308 : vector<1x16xf32> to vector<16xf32>
      %swap3A_310 = vector.shape_cast %add3A_306 : vector<16xf32> to vector<1x16xf32>
      tpu.vector_store %arg12[%swap3A, %swap3A_307], %swap3A_310 {strides = array<i32>} : memref<128x128xf32, #tpu.memory_space<vmem>>, vector<1x16xf32>,
      %get3A_311 = arith.index_cast %scan3A_296 : i32 to index
      %get3A_312 = arith.constant 16 : index
      %get3A_313 = tpu.vector_load %arg8[%get3A_311, %get3A_312] {strides = array<i32>} : memref<128x128xf32, #tpu.memory_space<vmem>>, vector<1x16xf32>,
      %get3A_314 = vector.shape_cast %get3A_313 : vector<1x16xf32> to vector<16xf32>
      %add3A_315 = arith.constant 128 : i32
      %add3A_316 = arith.addi %add3A_315, %scan3A_296 : i32
      %get3A_317 = arith.index_cast %add3A_316 : i32 to index
      %get3A_318 = arith.constant 16 : index
      %get3A_319 = tpu.vector_load %arg7[%get3A_317, %get3A_318] {strides = array<i32>} : memref<256x128xf32, #tpu.memory_space<vmem>>, vector<1x16xf32>,
      %get3A_320 = vector.shape_cast %get3A_319 : vector<1x16xf32> to vector<16xf32>
      %add3A_321 = arith.addf %get3A_314, %get3A_320 : vector<16xf32>
      %swap3A_322 = arith.index_cast %scan3A_296 : i32 to index
      %swap3A_323 = arith.constant 16 : index
      %swap3A_324 = tpu.vector_load %arg12[%swap3A_322, %swap3A_323] {strides = array<i32>} : memref<128x128xf32, #tpu.memory_space<vmem>>, vector<1x16xf32>,
      %swap3A_325 = vector.shape_cast %swap3A_324 : vector<1x16xf32> to vector<16xf32>
      %swap3A_326 = vector.shape_cast %add3A_321 : vector<16xf32> to vector<1x16xf32>
      tpu.vector_store %arg12[%swap3A_322, %swap3A_323], %swap3A_326 {strides = array<i32>} : memref<128x128xf32, #tpu.memory_space<vmem>>, vector<1x16xf32>,
      %get3A_327 = arith.index_cast %scan3A_296 : i32 to index
      %get3A_328 = arith.constant 32 : index
      %get3A_329 = tpu.vector_load %arg8[%get3A_327, %get3A_328] {strides = array<i32>} : memref<128x128xf32, #tpu.memory_space<vmem>>, vector<1x16xf32>,
      %get3A_330 = vector.shape_cast %get3A_329 : vector<1x16xf32> to vector<16xf32>
      %add3A_331 = arith.constant 128 : i32
      %add3A_332 = arith.addi %add3A_331, %scan3A_296 : i32
      %get3A_333 = arith.index_cast %add3A_332 : i32 to index
      %get3A_334 = arith.constant 32 : index
      %get3A_335 = tpu.vector_load %arg7[%get3A_333, %get3A_334] {strides = array<i32>} : memref<256x128xf32, #tpu.memory_space<vmem>>, vector<1x16xf32>,
      %get3A_336 = vector.shape_cast %get3A_335 : vector<1x16xf32> to vector<16xf32>
      %add3A_337 = arith.addf %get3A_330, %get3A_336 : vector<16xf32>
      %swap3A_338 = arith.index_cast %scan3A_296 : i32 to index
      %swap3A_339 = arith.constant 32 : index
      %swap3A_340 = tpu.vector_load %arg12[%swap3A_338, %swap3A_339] {strides = array<i32>} : memref<128x128xf32, #tpu.memory_space<vmem>>, vector<1x16xf32>,
      %swap3A_341 = vector.shape_cast %swap3A_340 : vector<1x16xf32> to vector<16xf32>
      %swap3A_342 = vector.shape_cast %add3A_337 : vector<16xf32> to vector<1x16xf32>
      tpu.vector_store %arg12[%swap3A_338, %swap3A_339], %swap3A_342 {strides = array<i32>} : memref<128x128xf32, #tpu.memory_space<vmem>>, vector<1x16xf32>,
      %get3A_343 = arith.index_cast %scan3A_296 : i32 to index
      %get3A_344 = arith.constant 48 : index
      %get3A_345 = tpu.vector_load %arg8[%get3A_343, %get3A_344] {strides = array<i32>} : memref<128x128xf32, #tpu.memory_space<vmem>>, vector<1x16xf32>,
      %get3A_346 = vector.shape_cast %get3A_345 : vector<1x16xf32> to vector<16xf32>
      %add3A_347 = arith.constant 128 : i32
      %add3A_348 = arith.addi %add3A_347, %scan3A_296 : i32
      %get3A_349 = arith.index_cast %add3A_348 : i32 to index
      %get3A_350 = arith.constant 48 : index
      %get3A_351 = tpu.vector_load %arg7[%get3A_349, %get3A_350] {strides = array<i32>} : memref<256x128xf32, #tpu.memory_space<vmem>>, vector<1x16xf32>,
      %get3A_352 = vector.shape_cast %get3A_351 : vector<1x16xf32> to vector<16xf32>
      %add3A_353 = arith.addf %get3A_346, %get3A_352 : vector<16xf32>
      %swap3A_354 = arith.index_cast %scan3A_296 : i32 to index
      %swap3A_355 = arith.constant 48 : index
      %swap3A_356 = tpu.vector_load %arg12[%swap3A_354, %swap3A_355] {strides = array<i32>} : memref<128x128xf32, #tpu.memory_space<vmem>>, vector<1x16xf32>,
      %swap3A_357 = vector.shape_cast %swap3A_356 : vector<1x16xf32> to vector<16xf32>
      %swap3A_358 = vector.shape_cast %add3A_353 : vector<16xf32> to vector<1x16xf32>
      tpu.vector_store %arg12[%swap3A_354, %swap3A_355], %swap3A_358 {strides = array<i32>} : memref<128x128xf32, #tpu.memory_space<vmem>>, vector<1x16xf32>,
      %get3A_359 = arith.index_cast %scan3A_296 : i32 to index
      %get3A_360 = arith.constant 64 : index
      %get3A_361 = tpu.vector_load %arg8[%get3A_359, %get3A_360] {strides = array<i32>} : memref<128x128xf32, #tpu.memory_space<vmem>>, vector<1x16xf32>,
      %get3A_362 = vector.shape_cast %get3A_361 : vector<1x16xf32> to vector<16xf32>
      %add3A_363 = arith.constant 128 : i32
      %add3A_364 = arith.addi %add3A_363, %scan3A_296 : i32
      %get3A_365 = arith.index_cast %add3A_364 : i32 to index
      %get3A_366 = arith.constant 64 : index
      %get3A_367 = tpu.vector_load %arg7[%get3A_365, %get3A_366] {strides = array<i32>} : memref<256x128xf32, #tpu.memory_space<vmem>>, vector<1x16xf32>,
      %get3A_368 = vector.shape_cast %get3A_367 : vector<1x16xf32> to vector<16xf32>
      %add3A_369 = arith.addf %get3A_362, %get3A_368 : vector<16xf32>
      %swap3A_370 = arith.index_cast %scan3A_296 : i32 to index
      %swap3A_371 = arith.constant 64 : index
      %swap3A_372 = tpu.vector_load %arg12[%swap3A_370, %swap3A_371] {strides = array<i32>} : memref<128x128xf32, #tpu.memory_space<vmem>>, vector<1x16xf32>,
      %swap3A_373 = vector.shape_cast %swap3A_372 : vector<1x16xf32> to vector<16xf32>
      %swap3A_374 = vector.shape_cast %add3A_369 : vector<16xf32> to vector<1x16xf32>
      tpu.vector_store %arg12[%swap3A_370, %swap3A_371], %swap3A_374 {strides = array<i32>} : memref<128x128xf32, #tpu.memory_space<vmem>>, vector<1x16xf32>,
      %get3A_375 = arith.index_cast %scan3A_296 : i32 to index
      %get3A_376 = arith.constant 80 : index
      %get3A_377 = tpu.vector_load %arg8[%get3A_375, %get3A_376] {strides = array<i32>} : memref<128x128xf32, #tpu.memory_space<vmem>>, vector<1x16xf32>,
      %get3A_378 = vector.shape_cast %get3A_377 : vector<1x16xf32> to vector<16xf32>
      %add3A_379 = arith.constant 128 : i32
      %add3A_380 = arith.addi %add3A_379, %scan3A_296 : i32
      %get3A_381 = arith.index_cast %add3A_380 : i32 to index
      %get3A_382 = arith.constant 80 : index
      %get3A_383 = tpu.vector_load %arg7[%get3A_381, %get3A_382] {strides = array<i32>} : memref<256x128xf32, #tpu.memory_space<vmem>>, vector<1x16xf32>,
      %get3A_384 = vector.shape_cast %get3A_383 : vector<1x16xf32> to vector<16xf32>
      %add3A_385 = arith.addf %get3A_378, %get3A_384 : vector<16xf32>
      %swap3A_386 = arith.index_cast %scan3A_296 : i32 to index
      %swap3A_387 = arith.constant 80 : index
      %swap3A_388 = tpu.vector_load %arg12[%swap3A_386, %swap3A_387] {strides = array<i32>} : memref<128x128xf32, #tpu.memory_space<vmem>>, vector<1x16xf32>,
      %swap3A_389 = vector.shape_cast %swap3A_388 : vector<1x16xf32> to vector<16xf32>
      %swap3A_390 = vector.shape_cast %add3A_385 : vector<16xf32> to vector<1x16xf32>
      tpu.vector_store %arg12[%swap3A_386, %swap3A_387], %swap3A_390 {strides = array<i32>} : memref<128x128xf32, #tpu.memory_space<vmem>>, vector<1x16xf32>,
      %get3A_391 = arith.index_cast %scan3A_296 : i32 to index
      %get3A_392 = arith.constant 96 : index
      %get3A_393 = tpu.vector_load %arg8[%get3A_391, %get3A_392] {strides = array<i32>} : memref<128x128xf32, #tpu.memory_space<vmem>>, vector<1x16xf32>,
      %get3A_394 = vector.shape_cast %get3A_393 : vector<1x16xf32> to vector<16xf32>
      %add3A_395 = arith.constant 128 : i32
      %add3A_396 = arith.addi %add3A_395, %scan3A_296 : i32
      %get3A_397 = arith.index_cast %add3A_396 : i32 to index
      %get3A_398 = arith.constant 96 : index
      %get3A_399 = tpu.vector_load %arg7[%get3A_397, %get3A_398] {strides = array<i32>} : memref<256x128xf32, #tpu.memory_space<vmem>>, vector<1x16xf32>,
      %get3A_400 = vector.shape_cast %get3A_399 : vector<1x16xf32> to vector<16xf32>
      %add3A_401 = arith.addf %get3A_394, %get3A_400 : vector<16xf32>
      %swap3A_402 = arith.index_cast %scan3A_296 : i32 to index
      %swap3A_403 = arith.constant 96 : index
      %swap3A_404 = tpu.vector_load %arg12[%swap3A_402, %swap3A_403] {strides = array<i32>} : memref<128x128xf32, #tpu.memory_space<vmem>>, vector<1x16xf32>,
      %swap3A_405 = vector.shape_cast %swap3A_404 : vector<1x16xf32> to vector<16xf32>
      %swap3A_406 = vector.shape_cast %add3A_401 : vector<16xf32> to vector<1x16xf32>
      tpu.vector_store %arg12[%swap3A_402, %swap3A_403], %swap3A_406 {strides = array<i32>} : memref<128x128xf32, #tpu.memory_space<vmem>>, vector<1x16xf32>,
      %get3A_407 = arith.index_cast %scan3A_296 : i32 to index
      %get3A_408 = arith.constant 112 : index
      %get3A_409 = tpu.vector_load %arg8[%get3A_407, %get3A_408] {strides = array<i32>} : memref<128x128xf32, #tpu.memory_space<vmem>>, vector<1x16xf32>,
      %get3A_410 = vector.shape_cast %get3A_409 : vector<1x16xf32> to vector<16xf32>
      %add3A_411 = arith.constant 128 : i32
      %add3A_412 = arith.addi %add3A_411, %scan3A_296 : i32
      %get3A_413 = arith.index_cast %add3A_412 : i32 to index
      %get3A_414 = arith.constant 112 : index
      %get3A_415 = tpu.vector_load %arg7[%get3A_413, %get3A_414] {strides = array<i32>} : memref<256x128xf32, #tpu.memory_space<vmem>>, vector<1x16xf32>,
      %get3A_416 = vector.shape_cast %get3A_415 : vector<1x16xf32> to vector<16xf32>
      %add3A_417 = arith.addf %get3A_410, %get3A_416 : vector<16xf32>
      %swap3A_418 = arith.index_cast %scan3A_296 : i32 to index
      %swap3A_419 = arith.constant 112 : index
      %swap3A_420 = tpu.vector_load %arg12[%swap3A_418, %swap3A_419] {strides = array<i32>} : memref<128x128xf32, #tpu.memory_space<vmem>>, vector<1x16xf32>,
      %swap3A_421 = vector.shape_cast %swap3A_420 : vector<1x16xf32> to vector<16xf32>
      %swap3A_422 = vector.shape_cast %add3A_417 : vector<16xf32> to vector<1x16xf32>
      tpu.vector_store %arg12[%swap3A_418, %swap3A_419], %swap3A_422 {strides = array<i32>} : memref<128x128xf32, #tpu.memory_space<vmem>>, vector<1x16xf32>,
    }
    %scan3A_142 = arith.constant 128 : i32
    %dma_start3A_143 = arith.constant 3 : i32
    %dma_start3A_144 = arith.constant 0 : i32
    %dma_start3A_145 = tpu.memref_slice %arg6[%dma_start3A_143, %dma_start3A_144] : memref<4x256xi32, #tpu.memory_space<vmem>> -> memref<1x128xi32, #tpu.memory_space<vmem>>
    %dma_start3A_146 = tpu.memref_squeeze %dma_start3A_145 : memref<1x128xi32, #tpu.memory_space<vmem>> -> memref<128xi32, #tpu.memory_space<vmem>>
    %dma_start3A_147 = arith.constant 0 : i32
    %dma_start3A_148 = arith.constant 0 : i32
    %dma_start3A_149 = tpu.memref_slice %arg3[%dma_start3A_147, %dma_start3A_148] : memref<100000x128xf32, #tpu.memory_space<hbm>> -> memref<100000x128xf32, #tpu.memory_space<hbm>>
    tpu.enqueue_indirect_dma source(%dma_start3A_149 : memref<100000x128xf32, #tpu.memory_space<hbm>>) target(%arg8 : memref<128x128xf32, #tpu.memory_space<vmem>>) offsets(%dma_start3A_146 : memref<128xi32, #tpu.memory_space<vmem>>) semaphore(%arg13 : memref<!tpu.dma_semaphore, #tpu.memory_space<semaphore_mem>>)
    %add3A_150 = arith.constant 128 : i32
    %add3A_151 = arith.addi %mul3A_2, %add3A_150 : i32
    %dma_start3A_152 = arith.constant 1 : i32
    %dma_start3A_153 = arith.constant 0 : i32
    %dma_start3A_154 = tpu.memref_slice %arg5[%dma_start3A_152, %add3A_151, %dma_start3A_153] : memref<4x8192x128xf32, #tpu.memory_space<hbm>> -> memref<1x128x128xf32, #tpu.memory_space<hbm>>
    %dma_start3A_155 = tpu.memref_squeeze %dma_start3A_154 : memref<1x128x128xf32, #tpu.memory_space<hbm>> -> memref<128x128xf32, #tpu.memory_space<hbm>>
    %dma_start3A_156 = arith.constant 0 : i32
    %dma_start3A_157 = tpu.memref_slice %arg5[%dma_start3A_152, %add3A_151, %dma_start3A_156] : memref<4x8192x128xf32, #tpu.memory_space<hbm>> -> memref<1x128x128xf32, #tpu.memory_space<hbm>>
    %dma_start3A_158 = tpu.memref_squeeze %dma_start3A_157 : memref<1x128x128xf32, #tpu.memory_space<hbm>> -> memref<128x128xf32, #tpu.memory_space<hbm>>
    tpu.enqueue_dma source(%arg12 : memref<128x128xf32, #tpu.memory_space<vmem>>) target(%dma_start3A_158 : memref<128x128xf32, #tpu.memory_space<hbm>>) target_semaphore(%arg17 : memref<!tpu.dma_semaphore, #tpu.memory_space<semaphore_mem>>)
    %dma_wait3A_159 = arith.constant 2 : i32
    %dma_wait3A_160 = arith.constant 0 : i32
    %dma_wait3A_161 = tpu.memref_slice %arg6[%dma_wait3A_159, %dma_wait3A_160] : memref<4x256xi32, #tpu.memory_space<vmem>> -> memref<1x128xi32, #tpu.memory_space<vmem>>
    %dma_wait3A_162 = tpu.memref_squeeze %dma_wait3A_161 : memref<1x128xi32, #tpu.memory_space<vmem>> -> memref<128xi32, #tpu.memory_space<vmem>>
    %dma_wait3A_163 = arith.constant 0 : i32
    %dma_wait3A_164 = arith.constant 0 : i32
    %dma_wait3A_165 = tpu.memref_slice %arg3[%dma_wait3A_163, %dma_wait3A_164] : memref<100000x128xf32, #tpu.memory_space<hbm>> -> memref<100000x128xf32, #tpu.memory_space<hbm>>
    tpu.wait_indirect_dma semaphore(%arg14 : memref<!tpu.dma_semaphore, #tpu.memory_space<semaphore_mem>>) src(%dma_wait3A_165 : memref<100000x128xf32, #tpu.memory_space<hbm>>) dst(%arg9 : memref<128x128xf32, #tpu.memory_space<vmem>>)
    %dma_wait3A_166 = arith.constant 1 : i32
    %dma_wait3A_167 = arith.constant 0 : i32
    %dma_wait3A_168 = tpu.memref_slice %arg5[%dma_wait3A_166, %add3A_115, %dma_wait3A_167] : memref<4x8192x128xf32, #tpu.memory_space<hbm>> -> memref<1x128x128xf32, #tpu.memory_space<hbm>>
    %dma_wait3A_169 = tpu.memref_squeeze %dma_wait3A_168 : memref<1x128x128xf32, #tpu.memory_space<hbm>> -> memref<128x128xf32, #tpu.memory_space<hbm>>
    %dma_wait3A_170 = arith.constant 0 : i32
    %dma_wait3A_171 = tpu.memref_slice %arg5[%dma_wait3A_166, %add3A_115, %dma_wait3A_170] : memref<4x8192x128xf32, #tpu.memory_space<hbm>> -> memref<1x128x128xf32, #tpu.memory_space<hbm>>
    %dma_wait3A_172 = tpu.memref_squeeze %dma_wait3A_171 : memref<1x128x128xf32, #tpu.memory_space<hbm>> -> memref<128x128xf32, #tpu.memory_space<hbm>>
    tpu.wait_dma2 semaphore(%arg16 : memref<!tpu.dma_semaphore, #tpu.memory_space<semaphore_mem>>) src(%arg11 : memref<128x128xf32, #tpu.memory_space<vmem>>) dst(%dma_wait3A_172 : memref<128x128xf32, #tpu.memory_space<hbm>>)
    %scan3A_173 = arith.constant 0 : i32
    %scan3A_174 = arith.constant 0 : i32
    %scan3A_175 = arith.constant 128 : i32
    %scan3A_176 = arith.addi %scan3A_174, %scan3A_175 : i32
    %scan3A_177 = arith.constant 1 : i32
    scf.for %scan3A_296 = %scan3A_174 to %scan3A_176 step %scan3A_177  : i32 {
      %get3A = arith.index_cast %scan3A_296 : i32 to index
      %get3A_297 = arith.constant 0 : index
      %get3A_298 = tpu.vector_load %arg9[%get3A, %get3A_297] {strides = array<i32>} : memref<128x128xf32, #tpu.memory_space<vmem>>, vector<1x16xf32>,
      %get3A_299 = vector.shape_cast %get3A_298 : vector<1x16xf32> to vector<16xf32>
      %add3A_300 = arith.constant 0 : i32
      %add3A_301 = arith.addi %add3A_300, %scan3A_296 : i32
      %get3A_302 = arith.index_cast %add3A_301 : i32 to index
      %get3A_303 = arith.constant 0 : index
      %get3A_304 = tpu.vector_load %arg7[%get3A_302, %get3A_303] {strides = array<i32>} : memref<256x128xf32, #tpu.memory_space<vmem>>, vector<1x16xf32>,
      %get3A_305 = vector.shape_cast %get3A_304 : vector<1x16xf32> to vector<16xf32>
      %add3A_306 = arith.addf %get3A_299, %get3A_305 : vector<16xf32>
      %swap3A = arith.index_cast %scan3A_296 : i32 to index
      %swap3A_307 = arith.constant 0 : index
      %swap3A_308 = tpu.vector_load %arg11[%swap3A, %swap3A_307] {strides = array<i32>} : memref<128x128xf32, #tpu.memory_space<vmem>>, vector<1x16xf32>,
      %swap3A_309 = vector.shape_cast %swap3A_308 : vector<1x16xf32> to vector<16xf32>
      %swap3A_310 = vector.shape_cast %add3A_306 : vector<16xf32> to vector<1x16xf32>
      tpu.vector_store %arg11[%swap3A, %swap3A_307], %swap3A_310 {strides = array<i32>} : memref<128x128xf32, #tpu.memory_space<vmem>>, vector<1x16xf32>,
      %get3A_311 = arith.index_cast %scan3A_296 : i32 to index
      %get3A_312 = arith.constant 16 : index
      %get3A_313 = tpu.vector_load %arg9[%get3A_311, %get3A_312] {strides = array<i32>} : memref<128x128xf32, #tpu.memory_space<vmem>>, vector<1x16xf32>,
      %get3A_314 = vector.shape_cast %get3A_313 : vector<1x16xf32> to vector<16xf32>
      %add3A_315 = arith.constant 0 : i32
      %add3A_316 = arith.addi %add3A_315, %scan3A_296 : i32
      %get3A_317 = arith.index_cast %add3A_316 : i32 to index
      %get3A_318 = arith.constant 16 : index
      %get3A_319 = tpu.vector_load %arg7[%get3A_317, %get3A_318] {strides = array<i32>} : memref<256x128xf32, #tpu.memory_space<vmem>>, vector<1x16xf32>,
      %get3A_320 = vector.shape_cast %get3A_319 : vector<1x16xf32> to vector<16xf32>
      %add3A_321 = arith.addf %get3A_314, %get3A_320 : vector<16xf32>
      %swap3A_322 = arith.index_cast %scan3A_296 : i32 to index
      %swap3A_323 = arith.constant 16 : index
      %swap3A_324 = tpu.vector_load %arg11[%swap3A_322, %swap3A_323] {strides = array<i32>} : memref<128x128xf32, #tpu.memory_space<vmem>>, vector<1x16xf32>,
      %swap3A_325 = vector.shape_cast %swap3A_324 : vector<1x16xf32> to vector<16xf32>
      %swap3A_326 = vector.shape_cast %add3A_321 : vector<16xf32> to vector<1x16xf32>
      tpu.vector_store %arg11[%swap3A_322, %swap3A_323], %swap3A_326 {strides = array<i32>} : memref<128x128xf32, #tpu.memory_space<vmem>>, vector<1x16xf32>,
      %get3A_327 = arith.index_cast %scan3A_296 : i32 to index
      %get3A_328 = arith.constant 32 : index
      %get3A_329 = tpu.vector_load %arg9[%get3A_327, %get3A_328] {strides = array<i32>} : memref<128x128xf32, #tpu.memory_space<vmem>>, vector<1x16xf32>,
      %get3A_330 = vector.shape_cast %get3A_329 : vector<1x16xf32> to vector<16xf32>
      %add3A_331 = arith.constant 0 : i32
      %add3A_332 = arith.addi %add3A_331, %scan3A_296 : i32
      %get3A_333 = arith.index_cast %add3A_332 : i32 to index
      %get3A_334 = arith.constant 32 : index
      %get3A_335 = tpu.vector_load %arg7[%get3A_333, %get3A_334] {strides = array<i32>} : memref<256x128xf32, #tpu.memory_space<vmem>>, vector<1x16xf32>,
      %get3A_336 = vector.shape_cast %get3A_335 : vector<1x16xf32> to vector<16xf32>
      %add3A_337 = arith.addf %get3A_330, %get3A_336 : vector<16xf32>
      %swap3A_338 = arith.index_cast %scan3A_296 : i32 to index
      %swap3A_339 = arith.constant 32 : index
      %swap3A_340 = tpu.vector_load %arg11[%swap3A_338, %swap3A_339] {strides = array<i32>} : memref<128x128xf32, #tpu.memory_space<vmem>>, vector<1x16xf32>,
      %swap3A_341 = vector.shape_cast %swap3A_340 : vector<1x16xf32> to vector<16xf32>
      %swap3A_342 = vector.shape_cast %add3A_337 : vector<16xf32> to vector<1x16xf32>
      tpu.vector_store %arg11[%swap3A_338, %swap3A_339], %swap3A_342 {strides = array<i32>} : memref<128x128xf32, #tpu.memory_space<vmem>>, vector<1x16xf32>,
      %get3A_343 = arith.index_cast %scan3A_296 : i32 to index
      %get3A_344 = arith.constant 48 : index
      %get3A_345 = tpu.vector_load %arg9[%get3A_343, %get3A_344] {strides = array<i32>} : memref<128x128xf32, #tpu.memory_space<vmem>>, vector<1x16xf32>,
      %get3A_346 = vector.shape_cast %get3A_345 : vector<1x16xf32> to vector<16xf32>
      %add3A_347 = arith.constant 0 : i32
      %add3A_348 = arith.addi %add3A_347, %scan3A_296 : i32
      %get3A_349 = arith.index_cast %add3A_348 : i32 to index
      %get3A_350 = arith.constant 48 : index
      %get3A_351 = tpu.vector_load %arg7[%get3A_349, %get3A_350] {strides = array<i32>} : memref<256x128xf32, #tpu.memory_space<vmem>>, vector<1x16xf32>,
      %get3A_352 = vector.shape_cast %get3A_351 : vector<1x16xf32> to vector<16xf32>
      %add3A_353 = arith.addf %get3A_346, %get3A_352 : vector<16xf32>
      %swap3A_354 = arith.index_cast %scan3A_296 : i32 to index
      %swap3A_355 = arith.constant 48 : index
      %swap3A_356 = tpu.vector_load %arg11[%swap3A_354, %swap3A_355] {strides = array<i32>} : memref<128x128xf32, #tpu.memory_space<vmem>>, vector<1x16xf32>,
      %swap3A_357 = vector.shape_cast %swap3A_356 : vector<1x16xf32> to vector<16xf32>
      %swap3A_358 = vector.shape_cast %add3A_353 : vector<16xf32> to vector<1x16xf32>
      tpu.vector_store %arg11[%swap3A_354, %swap3A_355], %swap3A_358 {strides = array<i32>} : memref<128x128xf32, #tpu.memory_space<vmem>>, vector<1x16xf32>,
      %get3A_359 = arith.index_cast %scan3A_296 : i32 to index
      %get3A_360 = arith.constant 64 : index
      %get3A_361 = tpu.vector_load %arg9[%get3A_359, %get3A_360] {strides = array<i32>} : memref<128x128xf32, #tpu.memory_space<vmem>>, vector<1x16xf32>,
      %get3A_362 = vector.shape_cast %get3A_361 : vector<1x16xf32> to vector<16xf32>
      %add3A_363 = arith.constant 0 : i32
      %add3A_364 = arith.addi %add3A_363, %scan3A_296 : i32
      %get3A_365 = arith.index_cast %add3A_364 : i32 to index
      %get3A_366 = arith.constant 64 : index
      %get3A_367 = tpu.vector_load %arg7[%get3A_365, %get3A_366] {strides = array<i32>} : memref<256x128xf32, #tpu.memory_space<vmem>>, vector<1x16xf32>,
      %get3A_368 = vector.shape_cast %get3A_367 : vector<1x16xf32> to vector<16xf32>
      %add3A_369 = arith.addf %get3A_362, %get3A_368 : vector<16xf32>
      %swap3A_370 = arith.index_cast %scan3A_296 : i32 to index
      %swap3A_371 = arith.constant 64 : index
      %swap3A_372 = tpu.vector_load %arg11[%swap3A_370, %swap3A_371] {strides = array<i32>} : memref<128x128xf32, #tpu.memory_space<vmem>>, vector<1x16xf32>,
      %swap3A_373 = vector.shape_cast %swap3A_372 : vector<1x16xf32> to vector<16xf32>
      %swap3A_374 = vector.shape_cast %add3A_369 : vector<16xf32> to vector<1x16xf32>
      tpu.vector_store %arg11[%swap3A_370, %swap3A_371], %swap3A_374 {strides = array<i32>} : memref<128x128xf32, #tpu.memory_space<vmem>>, vector<1x16xf32>,
      %get3A_375 = arith.index_cast %scan3A_296 : i32 to index
      %get3A_376 = arith.constant 80 : index
      %get3A_377 = tpu.vector_load %arg9[%get3A_375, %get3A_376] {strides = array<i32>} : memref<128x128xf32, #tpu.memory_space<vmem>>, vector<1x16xf32>,
      %get3A_378 = vector.shape_cast %get3A_377 : vector<1x16xf32> to vector<16xf32>
      %add3A_379 = arith.constant 0 : i32
      %add3A_380 = arith.addi %add3A_379, %scan3A_296 : i32
      %get3A_381 = arith.index_cast %add3A_380 : i32 to index
      %get3A_382 = arith.constant 80 : index
      %get3A_383 = tpu.vector_load %arg7[%get3A_381, %get3A_382] {strides = array<i32>} : memref<256x128xf32, #tpu.memory_space<vmem>>, vector<1x16xf32>,
      %get3A_384 = vector.shape_cast %get3A_383 : vector<1x16xf32> to vector<16xf32>
      %add3A_385 = arith.addf %get3A_378, %get3A_384 : vector<16xf32>
      %swap3A_386 = arith.index_cast %scan3A_296 : i32 to index
      %swap3A_387 = arith.constant 80 : index
      %swap3A_388 = tpu.vector_load %arg11[%swap3A_386, %swap3A_387] {strides = array<i32>} : memref<128x128xf32, #tpu.memory_space<vmem>>, vector<1x16xf32>,
      %swap3A_389 = vector.shape_cast %swap3A_388 : vector<1x16xf32> to vector<16xf32>
      %swap3A_390 = vector.shape_cast %add3A_385 : vector<16xf32> to vector<1x16xf32>
      tpu.vector_store %arg11[%swap3A_386, %swap3A_387], %swap3A_390 {strides = array<i32>} : memref<128x128xf32, #tpu.memory_space<vmem>>, vector<1x16xf32>,
      %get3A_391 = arith.index_cast %scan3A_296 : i32 to index
      %get3A_392 = arith.constant 96 : index
      %get3A_393 = tpu.vector_load %arg9[%get3A_391, %get3A_392] {strides = array<i32>} : memref<128x128xf32, #tpu.memory_space<vmem>>, vector<1x16xf32>,
      %get3A_394 = vector.shape_cast %get3A_393 : vector<1x16xf32> to vector<16xf32>
      %add3A_395 = arith.constant 0 : i32
      %add3A_396 = arith.addi %add3A_395, %scan3A_296 : i32
      %get3A_397 = arith.index_cast %add3A_396 : i32 to index
      %get3A_398 = arith.constant 96 : index
      %get3A_399 = tpu.vector_load %arg7[%get3A_397, %get3A_398] {strides = array<i32>} : memref<256x128xf32, #tpu.memory_space<vmem>>, vector<1x16xf32>,
      %get3A_400 = vector.shape_cast %get3A_399 : vector<1x16xf32> to vector<16xf32>
      %add3A_401 = arith.addf %get3A_394, %get3A_400 : vector<16xf32>
      %swap3A_402 = arith.index_cast %scan3A_296 : i32 to index
      %swap3A_403 = arith.constant 96 : index
      %swap3A_404 = tpu.vector_load %arg11[%swap3A_402, %swap3A_403] {strides = array<i32>} : memref<128x128xf32, #tpu.memory_space<vmem>>, vector<1x16xf32>,
      %swap3A_405 = vector.shape_cast %swap3A_404 : vector<1x16xf32> to vector<16xf32>
      %swap3A_406 = vector.shape_cast %add3A_401 : vector<16xf32> to vector<1x16xf32>
      tpu.vector_store %arg11[%swap3A_402, %swap3A_403], %swap3A_406 {strides = array<i32>} : memref<128x128xf32, #tpu.memory_space<vmem>>, vector<1x16xf32>,
      %get3A_407 = arith.index_cast %scan3A_296 : i32 to index
      %get3A_408 = arith.constant 112 : index
      %get3A_409 = tpu.vector_load %arg9[%get3A_407, %get3A_408] {strides = array<i32>} : memref<128x128xf32, #tpu.memory_space<vmem>>, vector<1x16xf32>,
      %get3A_410 = vector.shape_cast %get3A_409 : vector<1x16xf32> to vector<16xf32>
      %add3A_411 = arith.constant 0 : i32
      %add3A_412 = arith.addi %add3A_411, %scan3A_296 : i32
      %get3A_413 = arith.index_cast %add3A_412 : i32 to index
      %get3A_414 = arith.constant 112 : index
      %get3A_415 = tpu.vector_load %arg7[%get3A_413, %get3A_414] {strides = array<i32>} : memref<256x128xf32, #tpu.memory_space<vmem>>, vector<1x16xf32>,
      %get3A_416 = vector.shape_cast %get3A_415 : vector<1x16xf32> to vector<16xf32>
      %add3A_417 = arith.addf %get3A_410, %get3A_416 : vector<16xf32>
      %swap3A_418 = arith.index_cast %scan3A_296 : i32 to index
      %swap3A_419 = arith.constant 112 : index
      %swap3A_420 = tpu.vector_load %arg11[%swap3A_418, %swap3A_419] {strides = array<i32>} : memref<128x128xf32, #tpu.memory_space<vmem>>, vector<1x16xf32>,
      %swap3A_421 = vector.shape_cast %swap3A_420 : vector<1x16xf32> to vector<16xf32>
      %swap3A_422 = vector.shape_cast %add3A_417 : vector<16xf32> to vector<1x16xf32>
      tpu.vector_store %arg11[%swap3A_418, %swap3A_419], %swap3A_422 {strides = array<i32>} : memref<128x128xf32, #tpu.memory_space<vmem>>, vector<1x16xf32>,
    }
    %scan3A_178 = arith.constant 128 : i32
    %dma_start3A_179 = arith.constant 3 : i32
    %dma_start3A_180 = arith.constant 128 : i32
    %dma_start3A_181 = tpu.memref_slice %arg6[%dma_start3A_179, %dma_start3A_180] : memref<4x256xi32, #tpu.memory_space<vmem>> -> memref<1x128xi32, #tpu.memory_space<vmem>>
    %dma_start3A_182 = tpu.memref_squeeze %dma_start3A_181 : memref<1x128xi32, #tpu.memory_space<vmem>> -> memref<128xi32, #tpu.memory_space<vmem>>
    %dma_start3A_183 = arith.constant 0 : i32
    %dma_start3A_184 = arith.constant 0 : i32
    %dma_start3A_185 = tpu.memref_slice %arg3[%dma_start3A_183, %dma_start3A_184] : memref<100000x128xf32, #tpu.memory_space<hbm>> -> memref<100000x128xf32, #tpu.memory_space<hbm>>
    tpu.enqueue_indirect_dma source(%dma_start3A_185 : memref<100000x128xf32, #tpu.memory_space<hbm>>) target(%arg9 : memref<128x128xf32, #tpu.memory_space<vmem>>) offsets(%dma_start3A_182 : memref<128xi32, #tpu.memory_space<vmem>>) semaphore(%arg14 : memref<!tpu.dma_semaphore, #tpu.memory_space<semaphore_mem>>)
    %add3A_186 = arith.constant 0 : i32
    %add3A_187 = arith.addi %mul3A_2, %add3A_186 : i32
    %dma_start3A_188 = arith.constant 2 : i32
    %dma_start3A_189 = arith.constant 0 : i32
    %dma_start3A_190 = tpu.memref_slice %arg5[%dma_start3A_188, %add3A_187, %dma_start3A_189] : memref<4x8192x128xf32, #tpu.memory_space<hbm>> -> memref<1x128x128xf32, #tpu.memory_space<hbm>>
    %dma_start3A_191 = tpu.memref_squeeze %dma_start3A_190 : memref<1x128x128xf32, #tpu.memory_space<hbm>> -> memref<128x128xf32, #tpu.memory_space<hbm>>
    %dma_start3A_192 = arith.constant 0 : i32
    %dma_start3A_193 = tpu.memref_slice %arg5[%dma_start3A_188, %add3A_187, %dma_start3A_192] : memref<4x8192x128xf32, #tpu.memory_space<hbm>> -> memref<1x128x128xf32, #tpu.memory_space<hbm>>
    %dma_start3A_194 = tpu.memref_squeeze %dma_start3A_193 : memref<1x128x128xf32, #tpu.memory_space<hbm>> -> memref<128x128xf32, #tpu.memory_space<hbm>>
    tpu.enqueue_dma source(%arg11 : memref<128x128xf32, #tpu.memory_space<vmem>>) target(%dma_start3A_194 : memref<128x128xf32, #tpu.memory_space<hbm>>) target_semaphore(%arg16 : memref<!tpu.dma_semaphore, #tpu.memory_space<semaphore_mem>>)
    %dma_wait3A_195 = arith.constant 2 : i32
    %dma_wait3A_196 = arith.constant 128 : i32
    %dma_wait3A_197 = tpu.memref_slice %arg6[%dma_wait3A_195, %dma_wait3A_196] : memref<4x256xi32, #tpu.memory_space<vmem>> -> memref<1x128xi32, #tpu.memory_space<vmem>>
    %dma_wait3A_198 = tpu.memref_squeeze %dma_wait3A_197 : memref<1x128xi32, #tpu.memory_space<vmem>> -> memref<128xi32, #tpu.memory_space<vmem>>
    %dma_wait3A_199 = arith.constant 0 : i32
    %dma_wait3A_200 = arith.constant 0 : i32
    %dma_wait3A_201 = tpu.memref_slice %arg3[%dma_wait3A_199, %dma_wait3A_200] : memref<100000x128xf32, #tpu.memory_space<hbm>> -> memref<100000x128xf32, #tpu.memory_space<hbm>>
    tpu.wait_indirect_dma semaphore(%arg15 : memref<!tpu.dma_semaphore, #tpu.memory_space<semaphore_mem>>) src(%dma_wait3A_201 : memref<100000x128xf32, #tpu.memory_space<hbm>>) dst(%arg10 : memref<128x128xf32, #tpu.memory_space<vmem>>)
    %dma_wait3A_202 = arith.constant 1 : i32
    %dma_wait3A_203 = arith.constant 0 : i32
    %dma_wait3A_204 = tpu.memref_slice %arg5[%dma_wait3A_202, %add3A_151, %dma_wait3A_203] : memref<4x8192x128xf32, #tpu.memory_space<hbm>> -> memref<1x128x128xf32, #tpu.memory_space<hbm>>
    %dma_wait3A_205 = tpu.memref_squeeze %dma_wait3A_204 : memref<1x128x128xf32, #tpu.memory_space<hbm>> -> memref<128x128xf32, #tpu.memory_space<hbm>>
    %dma_wait3A_206 = arith.constant 0 : i32
    %dma_wait3A_207 = tpu.memref_slice %arg5[%dma_wait3A_202, %add3A_151, %dma_wait3A_206] : memref<4x8192x128xf32, #tpu.memory_space<hbm>> -> memref<1x128x128xf32, #tpu.memory_space<hbm>>
    %dma_wait3A_208 = tpu.memref_squeeze %dma_wait3A_207 : memref<1x128x128xf32, #tpu.memory_space<hbm>> -> memref<128x128xf32, #tpu.memory_space<hbm>>
    tpu.wait_dma2 semaphore(%arg17 : memref<!tpu.dma_semaphore, #tpu.memory_space<semaphore_mem>>) src(%arg12 : memref<128x128xf32, #tpu.memory_space<vmem>>) dst(%dma_wait3A_208 : memref<128x128xf32, #tpu.memory_space<hbm>>)
    %scan3A_209 = arith.constant 0 : i32
    %scan3A_210 = arith.constant 0 : i32
    %scan3A_211 = arith.constant 128 : i32
    %scan3A_212 = arith.addi %scan3A_210, %scan3A_211 : i32
    %scan3A_213 = arith.constant 1 : i32
    scf.for %scan3A_296 = %scan3A_210 to %scan3A_212 step %scan3A_213  : i32 {
      %get3A = arith.index_cast %scan3A_296 : i32 to index
      %get3A_297 = arith.constant 0 : index
      %get3A_298 = tpu.vector_load %arg10[%get3A, %get3A_297] {strides = array<i32>} : memref<128x128xf32, #tpu.memory_space<vmem>>, vector<1x16xf32>,
      %get3A_299 = vector.shape_cast %get3A_298 : vector<1x16xf32> to vector<16xf32>
      %add3A_300 = arith.constant 128 : i32
      %add3A_301 = arith.addi %add3A_300, %scan3A_296 : i32
      %get3A_302 = arith.index_cast %add3A_301 : i32 to index
      %get3A_303 = arith.constant 0 : index
      %get3A_304 = tpu.vector_load %arg7[%get3A_302, %get3A_303] {strides = array<i32>} : memref<256x128xf32, #tpu.memory_space<vmem>>, vector<1x16xf32>,
      %get3A_305 = vector.shape_cast %get3A_304 : vector<1x16xf32> to vector<16xf32>
      %add3A_306 = arith.addf %get3A_299, %get3A_305 : vector<16xf32>
      %swap3A = arith.index_cast %scan3A_296 : i32 to index
      %swap3A_307 = arith.constant 0 : index
      %swap3A_308 = tpu.vector_load %arg12[%swap3A, %swap3A_307] {strides = array<i32>} : memref<128x128xf32, #tpu.memory_space<vmem>>, vector<1x16xf32>,
      %swap3A_309 = vector.shape_cast %swap3A_308 : vector<1x16xf32> to vector<16xf32>
      %swap3A_310 = vector.shape_cast %add3A_306 : vector<16xf32> to vector<1x16xf32>
      tpu.vector_store %arg12[%swap3A, %swap3A_307], %swap3A_310 {strides = array<i32>} : memref<128x128xf32, #tpu.memory_space<vmem>>, vector<1x16xf32>,
      %get3A_311 = arith.index_cast %scan3A_296 : i32 to index
      %get3A_312 = arith.constant 16 : index
      %get3A_313 = tpu.vector_load %arg10[%get3A_311, %get3A_312] {strides = array<i32>} : memref<128x128xf32, #tpu.memory_space<vmem>>, vector<1x16xf32>,
      %get3A_314 = vector.shape_cast %get3A_313 : vector<1x16xf32> to vector<16xf32>
      %add3A_315 = arith.constant 128 : i32
      %add3A_316 = arith.addi %add3A_315, %scan3A_296 : i32
      %get3A_317 = arith.index_cast %add3A_316 : i32 to index
      %get3A_318 = arith.constant 16 : index
      %get3A_319 = tpu.vector_load %arg7[%get3A_317, %get3A_318] {strides = array<i32>} : memref<256x128xf32, #tpu.memory_space<vmem>>, vector<1x16xf32>,
      %get3A_320 = vector.shape_cast %get3A_319 : vector<1x16xf32> to vector<16xf32>
      %add3A_321 = arith.addf %get3A_314, %get3A_320 : vector<16xf32>
      %swap3A_322 = arith.index_cast %scan3A_296 : i32 to index
      %swap3A_323 = arith.constant 16 : index
      %swap3A_324 = tpu.vector_load %arg12[%swap3A_322, %swap3A_323] {strides = array<i32>} : memref<128x128xf32, #tpu.memory_space<vmem>>, vector<1x16xf32>,
      %swap3A_325 = vector.shape_cast %swap3A_324 : vector<1x16xf32> to vector<16xf32>
      %swap3A_326 = vector.shape_cast %add3A_321 : vector<16xf32> to vector<1x16xf32>
      tpu.vector_store %arg12[%swap3A_322, %swap3A_323], %swap3A_326 {strides = array<i32>} : memref<128x128xf32, #tpu.memory_space<vmem>>, vector<1x16xf32>,
      %get3A_327 = arith.index_cast %scan3A_296 : i32 to index
      %get3A_328 = arith.constant 32 : index
      %get3A_329 = tpu.vector_load %arg10[%get3A_327, %get3A_328] {strides = array<i32>} : memref<128x128xf32, #tpu.memory_space<vmem>>, vector<1x16xf32>,
      %get3A_330 = vector.shape_cast %get3A_329 : vector<1x16xf32> to vector<16xf32>
      %add3A_331 = arith.constant 128 : i32
      %add3A_332 = arith.addi %add3A_331, %scan3A_296 : i32
      %get3A_333 = arith.index_cast %add3A_332 : i32 to index
      %get3A_334 = arith.constant 32 : index
      %get3A_335 = tpu.vector_load %arg7[%get3A_333, %get3A_334] {strides = array<i32>} : memref<256x128xf32, #tpu.memory_space<vmem>>, vector<1x16xf32>,
      %get3A_336 = vector.shape_cast %get3A_335 : vector<1x16xf32> to vector<16xf32>
      %add3A_337 = arith.addf %get3A_330, %get3A_336 : vector<16xf32>
      %swap3A_338 = arith.index_cast %scan3A_296 : i32 to index
      %swap3A_339 = arith.constant 32 : index
      %swap3A_340 = tpu.vector_load %arg12[%swap3A_338, %swap3A_339] {strides = array<i32>} : memref<128x128xf32, #tpu.memory_space<vmem>>, vector<1x16xf32>,
      %swap3A_341 = vector.shape_cast %swap3A_340 : vector<1x16xf32> to vector<16xf32>
      %swap3A_342 = vector.shape_cast %add3A_337 : vector<16xf32> to vector<1x16xf32>
      tpu.vector_store %arg12[%swap3A_338, %swap3A_339], %swap3A_342 {strides = array<i32>} : memref<128x128xf32, #tpu.memory_space<vmem>>, vector<1x16xf32>,
      %get3A_343 = arith.index_cast %scan3A_296 : i32 to index
      %get3A_344 = arith.constant 48 : index
      %get3A_345 = tpu.vector_load %arg10[%get3A_343, %get3A_344] {strides = array<i32>} : memref<128x128xf32, #tpu.memory_space<vmem>>, vector<1x16xf32>,
      %get3A_346 = vector.shape_cast %get3A_345 : vector<1x16xf32> to vector<16xf32>
      %add3A_347 = arith.constant 128 : i32
      %add3A_348 = arith.addi %add3A_347, %scan3A_296 : i32
      %get3A_349 = arith.index_cast %add3A_348 : i32 to index
      %get3A_350 = arith.constant 48 : index
      %get3A_351 = tpu.vector_load %arg7[%get3A_349, %get3A_350] {strides = array<i32>} : memref<256x128xf32, #tpu.memory_space<vmem>>, vector<1x16xf32>,
      %get3A_352 = vector.shape_cast %get3A_351 : vector<1x16xf32> to vector<16xf32>
      %add3A_353 = arith.addf %get3A_346, %get3A_352 : vector<16xf32>
      %swap3A_354 = arith.index_cast %scan3A_296 : i32 to index
      %swap3A_355 = arith.constant 48 : index
      %swap3A_356 = tpu.vector_load %arg12[%swap3A_354, %swap3A_355] {strides = array<i32>} : memref<128x128xf32, #tpu.memory_space<vmem>>, vector<1x16xf32>,
      %swap3A_357 = vector.shape_cast %swap3A_356 : vector<1x16xf32> to vector<16xf32>
      %swap3A_358 = vector.shape_cast %add3A_353 : vector<16xf32> to vector<1x16xf32>
      tpu.vector_store %arg12[%swap3A_354, %swap3A_355], %swap3A_358 {strides = array<i32>} : memref<128x128xf32, #tpu.memory_space<vmem>>, vector<1x16xf32>,
      %get3A_359 = arith.index_cast %scan3A_296 : i32 to index
      %get3A_360 = arith.constant 64 : index
      %get3A_361 = tpu.vector_load %arg10[%get3A_359, %get3A_360] {strides = array<i32>} : memref<128x128xf32, #tpu.memory_space<vmem>>, vector<1x16xf32>,
      %get3A_362 = vector.shape_cast %get3A_361 : vector<1x16xf32> to vector<16xf32>
      %add3A_363 = arith.constant 128 : i32
      %add3A_364 = arith.addi %add3A_363, %scan3A_296 : i32
      %get3A_365 = arith.index_cast %add3A_364 : i32 to index
      %get3A_366 = arith.constant 64 : index
      %get3A_367 = tpu.vector_load %arg7[%get3A_365, %get3A_366] {strides = array<i32>} : memref<256x128xf32, #tpu.memory_space<vmem>>, vector<1x16xf32>,
      %get3A_368 = vector.shape_cast %get3A_367 : vector<1x16xf32> to vector<16xf32>
      %add3A_369 = arith.addf %get3A_362, %get3A_368 : vector<16xf32>
      %swap3A_370 = arith.index_cast %scan3A_296 : i32 to index
      %swap3A_371 = arith.constant 64 : index
      %swap3A_372 = tpu.vector_load %arg12[%swap3A_370, %swap3A_371] {strides = array<i32>} : memref<128x128xf32, #tpu.memory_space<vmem>>, vector<1x16xf32>,
      %swap3A_373 = vector.shape_cast %swap3A_372 : vector<1x16xf32> to vector<16xf32>
      %swap3A_374 = vector.shape_cast %add3A_369 : vector<16xf32> to vector<1x16xf32>
      tpu.vector_store %arg12[%swap3A_370, %swap3A_371], %swap3A_374 {strides = array<i32>} : memref<128x128xf32, #tpu.memory_space<vmem>>, vector<1x16xf32>,
      %get3A_375 = arith.index_cast %scan3A_296 : i32 to index
      %get3A_376 = arith.constant 80 : index
      %get3A_377 = tpu.vector_load %arg10[%get3A_375, %get3A_376] {strides = array<i32>} : memref<128x128xf32, #tpu.memory_space<vmem>>, vector<1x16xf32>,
      %get3A_378 = vector.shape_cast %get3A_377 : vector<1x16xf32> to vector<16xf32>
      %add3A_379 = arith.constant 128 : i32
      %add3A_380 = arith.addi %add3A_379, %scan3A_296 : i32
      %get3A_381 = arith.index_cast %add3A_380 : i32 to index
      %get3A_382 = arith.constant 80 : index
      %get3A_383 = tpu.vector_load %arg7[%get3A_381, %get3A_382] {strides = array<i32>} : memref<256x128xf32, #tpu.memory_space<vmem>>, vector<1x16xf32>,
      %get3A_384 = vector.shape_cast %get3A_383 : vector<1x16xf32> to vector<16xf32>
      %add3A_385 = arith.addf %get3A_378, %get3A_384 : vector<16xf32>
      %swap3A_386 = arith.index_cast %scan3A_296 : i32 to index
      %swap3A_387 = arith.constant 80 : index
      %swap3A_388 = tpu.vector_load %arg12[%swap3A_386, %swap3A_387] {strides = array<i32>} : memref<128x128xf32, #tpu.memory_space<vmem>>, vector<1x16xf32>,
      %swap3A_389 = vector.shape_cast %swap3A_388 : vector<1x16xf32> to vector<16xf32>
      %swap3A_390 = vector.shape_cast %add3A_385 : vector<16xf32> to vector<1x16xf32>
      tpu.vector_store %arg12[%swap3A_386, %swap3A_387], %swap3A_390 {strides = array<i32>} : memref<128x128xf32, #tpu.memory_space<vmem>>, vector<1x16xf32>,
      %get3A_391 = arith.index_cast %scan3A_296 : i32 to index
      %get3A_392 = arith.constant 96 : index
      %get3A_393 = tpu.vector_load %arg10[%get3A_391, %get3A_392] {strides = array<i32>} : memref<128x128xf32, #tpu.memory_space<vmem>>, vector<1x16xf32>,
      %get3A_394 = vector.shape_cast %get3A_393 : vector<1x16xf32> to vector<16xf32>
      %add3A_395 = arith.constant 128 : i32
      %add3A_396 = arith.addi %add3A_395, %scan3A_296 : i32
      %get3A_397 = arith.index_cast %add3A_396 : i32 to index
      %get3A_398 = arith.constant 96 : index
      %get3A_399 = tpu.vector_load %arg7[%get3A_397, %get3A_398] {strides = array<i32>} : memref<256x128xf32, #tpu.memory_space<vmem>>, vector<1x16xf32>,
      %get3A_400 = vector.shape_cast %get3A_399 : vector<1x16xf32> to vector<16xf32>
      %add3A_401 = arith.addf %get3A_394, %get3A_400 : vector<16xf32>
      %swap3A_402 = arith.index_cast %scan3A_296 : i32 to index
      %swap3A_403 = arith.constant 96 : index
      %swap3A_404 = tpu.vector_load %arg12[%swap3A_402, %swap3A_403] {strides = array<i32>} : memref<128x128xf32, #tpu.memory_space<vmem>>, vector<1x16xf32>,
      %swap3A_405 = vector.shape_cast %swap3A_404 : vector<1x16xf32> to vector<16xf32>
      %swap3A_406 = vector.shape_cast %add3A_401 : vector<16xf32> to vector<1x16xf32>
      tpu.vector_store %arg12[%swap3A_402, %swap3A_403], %swap3A_406 {strides = array<i32>} : memref<128x128xf32, #tpu.memory_space<vmem>>, vector<1x16xf32>,
      %get3A_407 = arith.index_cast %scan3A_296 : i32 to index
      %get3A_408 = arith.constant 112 : index
      %get3A_409 = tpu.vector_load %arg10[%get3A_407, %get3A_408] {strides = array<i32>} : memref<128x128xf32, #tpu.memory_space<vmem>>, vector<1x16xf32>,
      %get3A_410 = vector.shape_cast %get3A_409 : vector<1x16xf32> to vector<16xf32>
      %add3A_411 = arith.constant 128 : i32
      %add3A_412 = arith.addi %add3A_411, %scan3A_296 : i32
      %get3A_413 = arith.index_cast %add3A_412 : i32 to index
      %get3A_414 = arith.constant 112 : index
      %get3A_415 = tpu.vector_load %arg7[%get3A_413, %get3A_414] {strides = array<i32>} : memref<256x128xf32, #tpu.memory_space<vmem>>, vector<1x16xf32>,
      %get3A_416 = vector.shape_cast %get3A_415 : vector<1x16xf32> to vector<16xf32>
      %add3A_417 = arith.addf %get3A_410, %get3A_416 : vector<16xf32>
      %swap3A_418 = arith.index_cast %scan3A_296 : i32 to index
      %swap3A_419 = arith.constant 112 : index
      %swap3A_420 = tpu.vector_load %arg12[%swap3A_418, %swap3A_419] {strides = array<i32>} : memref<128x128xf32, #tpu.memory_space<vmem>>, vector<1x16xf32>,
      %swap3A_421 = vector.shape_cast %swap3A_420 : vector<1x16xf32> to vector<16xf32>
      %swap3A_422 = vector.shape_cast %add3A_417 : vector<16xf32> to vector<1x16xf32>
      tpu.vector_store %arg12[%swap3A_418, %swap3A_419], %swap3A_422 {strides = array<i32>} : memref<128x128xf32, #tpu.memory_space<vmem>>, vector<1x16xf32>,
    }
    %scan3A_214 = arith.constant 128 : i32
    %add3A_215 = arith.constant 128 : i32
    %add3A_216 = arith.addi %mul3A_2, %add3A_215 : i32
    %dma_start3A_217 = arith.constant 2 : i32
    %dma_start3A_218 = arith.constant 0 : i32
    %dma_start3A_219 = tpu.memref_slice %arg5[%dma_start3A_217, %add3A_216, %dma_start3A_218] : memref<4x8192x128xf32, #tpu.memory_space<hbm>> -> memref<1x128x128xf32, #tpu.memory_space<hbm>>
    %dma_start3A_220 = tpu.memref_squeeze %dma_start3A_219 : memref<1x128x128xf32, #tpu.memory_space<hbm>> -> memref<128x128xf32, #tpu.memory_space<hbm>>
    %dma_start3A_221 = arith.constant 0 : i32
    %dma_start3A_222 = tpu.memref_slice %arg5[%dma_start3A_217, %add3A_216, %dma_start3A_221] : memref<4x8192x128xf32, #tpu.memory_space<hbm>> -> memref<1x128x128xf32, #tpu.memory_space<hbm>>
    %dma_start3A_223 = tpu.memref_squeeze %dma_start3A_222 : memref<1x128x128xf32, #tpu.memory_space<hbm>> -> memref<128x128xf32, #tpu.memory_space<hbm>>
    tpu.enqueue_dma source(%arg12 : memref<128x128xf32, #tpu.memory_space<vmem>>) target(%dma_start3A_223 : memref<128x128xf32, #tpu.memory_space<hbm>>) target_semaphore(%arg17 : memref<!tpu.dma_semaphore, #tpu.memory_space<semaphore_mem>>)
    %dma_wait3A_224 = arith.constant 3 : i32
    %dma_wait3A_225 = arith.constant 0 : i32
    %dma_wait3A_226 = tpu.memref_slice %arg6[%dma_wait3A_224, %dma_wait3A_225] : memref<4x256xi32, #tpu.memory_space<vmem>> -> memref<1x128xi32, #tpu.memory_space<vmem>>
    %dma_wait3A_227 = tpu.memref_squeeze %dma_wait3A_226 : memref<1x128xi32, #tpu.memory_space<vmem>> -> memref<128xi32, #tpu.memory_space<vmem>>
    %dma_wait3A_228 = arith.constant 0 : i32
    %dma_wait3A_229 = arith.constant 0 : i32
    %dma_wait3A_230 = tpu.memref_slice %arg3[%dma_wait3A_228, %dma_wait3A_229] : memref<100000x128xf32, #tpu.memory_space<hbm>> -> memref<100000x128xf32, #tpu.memory_space<hbm>>
    tpu.wait_indirect_dma semaphore(%arg13 : memref<!tpu.dma_semaphore, #tpu.memory_space<semaphore_mem>>) src(%dma_wait3A_230 : memref<100000x128xf32, #tpu.memory_space<hbm>>) dst(%arg8 : memref<128x128xf32, #tpu.memory_space<vmem>>)
    %dma_wait3A_231 = arith.constant 2 : i32
    %dma_wait3A_232 = arith.constant 0 : i32
    %dma_wait3A_233 = tpu.memref_slice %arg5[%dma_wait3A_231, %add3A_187, %dma_wait3A_232] : memref<4x8192x128xf32, #tpu.memory_space<hbm>> -> memref<1x128x128xf32, #tpu.memory_space<hbm>>
    %dma_wait3A_234 = tpu.memref_squeeze %dma_wait3A_233 : memref<1x128x128xf32, #tpu.memory_space<hbm>> -> memref<128x128xf32, #tpu.memory_space<hbm>>
    %dma_wait3A_235 = arith.constant 0 : i32
    %dma_wait3A_236 = tpu.memref_slice %arg5[%dma_wait3A_231, %add3A_187, %dma_wait3A_235] : memref<4x8192x128xf32, #tpu.memory_space<hbm>> -> memref<1x128x128xf32, #tpu.memory_space<hbm>>
    %dma_wait3A_237 = tpu.memref_squeeze %dma_wait3A_236 : memref<1x128x128xf32, #tpu.memory_space<hbm>> -> memref<128x128xf32, #tpu.memory_space<hbm>>
    tpu.wait_dma2 semaphore(%arg16 : memref<!tpu.dma_semaphore, #tpu.memory_space<semaphore_mem>>) src(%arg11 : memref<128x128xf32, #tpu.memory_space<vmem>>) dst(%dma_wait3A_237 : memref<128x128xf32, #tpu.memory_space<hbm>>)
    %scan3A_238 = arith.constant 0 : i32
    %scan3A_239 = arith.constant 0 : i32
    %scan3A_240 = arith.constant 128 : i32
    %scan3A_241 = arith.addi %scan3A_239, %scan3A_240 : i32
    %scan3A_242 = arith.constant 1 : i32
    scf.for %scan3A_296 = %scan3A_239 to %scan3A_241 step %scan3A_242  : i32 {
      %get3A = arith.index_cast %scan3A_296 : i32 to index
      %get3A_297 = arith.constant 0 : index
      %get3A_298 = tpu.vector_load %arg8[%get3A, %get3A_297] {strides = array<i32>} : memref<128x128xf32, #tpu.memory_space<vmem>>, vector<1x16xf32>,
      %get3A_299 = vector.shape_cast %get3A_298 : vector<1x16xf32> to vector<16xf32>
      %add3A_300 = arith.constant 0 : i32
      %add3A_301 = arith.addi %add3A_300, %scan3A_296 : i32
      %get3A_302 = arith.index_cast %add3A_301 : i32 to index
      %get3A_303 = arith.constant 0 : index
      %get3A_304 = tpu.vector_load %arg7[%get3A_302, %get3A_303] {strides = array<i32>} : memref<256x128xf32, #tpu.memory_space<vmem>>, vector<1x16xf32>,
      %get3A_305 = vector.shape_cast %get3A_304 : vector<1x16xf32> to vector<16xf32>
      %add3A_306 = arith.addf %get3A_299, %get3A_305 : vector<16xf32>
      %swap3A = arith.index_cast %scan3A_296 : i32 to index
      %swap3A_307 = arith.constant 0 : index
      %swap3A_308 = tpu.vector_load %arg11[%swap3A, %swap3A_307] {strides = array<i32>} : memref<128x128xf32, #tpu.memory_space<vmem>>, vector<1x16xf32>,
      %swap3A_309 = vector.shape_cast %swap3A_308 : vector<1x16xf32> to vector<16xf32>
      %swap3A_310 = vector.shape_cast %add3A_306 : vector<16xf32> to vector<1x16xf32>
      tpu.vector_store %arg11[%swap3A, %swap3A_307], %swap3A_310 {strides = array<i32>} : memref<128x128xf32, #tpu.memory_space<vmem>>, vector<1x16xf32>,
      %get3A_311 = arith.index_cast %scan3A_296 : i32 to index
      %get3A_312 = arith.constant 16 : index
      %get3A_313 = tpu.vector_load %arg8[%get3A_311, %get3A_312] {strides = array<i32>} : memref<128x128xf32, #tpu.memory_space<vmem>>, vector<1x16xf32>,
      %get3A_314 = vector.shape_cast %get3A_313 : vector<1x16xf32> to vector<16xf32>
      %add3A_315 = arith.constant 0 : i32
      %add3A_316 = arith.addi %add3A_315, %scan3A_296 : i32
      %get3A_317 = arith.index_cast %add3A_316 : i32 to index
      %get3A_318 = arith.constant 16 : index
      %get3A_319 = tpu.vector_load %arg7[%get3A_317, %get3A_318] {strides = array<i32>} : memref<256x128xf32, #tpu.memory_space<vmem>>, vector<1x16xf32>,
      %get3A_320 = vector.shape_cast %get3A_319 : vector<1x16xf32> to vector<16xf32>
      %add3A_321 = arith.addf %get3A_314, %get3A_320 : vector<16xf32>
      %swap3A_322 = arith.index_cast %scan3A_296 : i32 to index
      %swap3A_323 = arith.constant 16 : index
      %swap3A_324 = tpu.vector_load %arg11[%swap3A_322, %swap3A_323] {strides = array<i32>} : memref<128x128xf32, #tpu.memory_space<vmem>>, vector<1x16xf32>,
      %swap3A_325 = vector.shape_cast %swap3A_324 : vector<1x16xf32> to vector<16xf32>
      %swap3A_326 = vector.shape_cast %add3A_321 : vector<16xf32> to vector<1x16xf32>
      tpu.vector_store %arg11[%swap3A_322, %swap3A_323], %swap3A_326 {strides = array<i32>} : memref<128x128xf32, #tpu.memory_space<vmem>>, vector<1x16xf32>,
      %get3A_327 = arith.index_cast %scan3A_296 : i32 to index
      %get3A_328 = arith.constant 32 : index
      %get3A_329 = tpu.vector_load %arg8[%get3A_327, %get3A_328] {strides = array<i32>} : memref<128x128xf32, #tpu.memory_space<vmem>>, vector<1x16xf32>,
      %get3A_330 = vector.shape_cast %get3A_329 : vector<1x16xf32> to vector<16xf32>
      %add3A_331 = arith.constant 0 : i32
      %add3A_332 = arith.addi %add3A_331, %scan3A_296 : i32
      %get3A_333 = arith.index_cast %add3A_332 : i32 to index
      %get3A_334 = arith.constant 32 : index
      %get3A_335 = tpu.vector_load %arg7[%get3A_333, %get3A_334] {strides = array<i32>} : memref<256x128xf32, #tpu.memory_space<vmem>>, vector<1x16xf32>,
      %get3A_336 = vector.shape_cast %get3A_335 : vector<1x16xf32> to vector<16xf32>
      %add3A_337 = arith.addf %get3A_330, %get3A_336 : vector<16xf32>
      %swap3A_338 = arith.index_cast %scan3A_296 : i32 to index
      %swap3A_339 = arith.constant 32 : index
      %swap3A_340 = tpu.vector_load %arg11[%swap3A_338, %swap3A_339] {strides = array<i32>} : memref<128x128xf32, #tpu.memory_space<vmem>>, vector<1x16xf32>,
      %swap3A_341 = vector.shape_cast %swap3A_340 : vector<1x16xf32> to vector<16xf32>
      %swap3A_342 = vector.shape_cast %add3A_337 : vector<16xf32> to vector<1x16xf32>
      tpu.vector_store %arg11[%swap3A_338, %swap3A_339], %swap3A_342 {strides = array<i32>} : memref<128x128xf32, #tpu.memory_space<vmem>>, vector<1x16xf32>,
      %get3A_343 = arith.index_cast %scan3A_296 : i32 to index
      %get3A_344 = arith.constant 48 : index
      %get3A_345 = tpu.vector_load %arg8[%get3A_343, %get3A_344] {strides = array<i32>} : memref<128x128xf32, #tpu.memory_space<vmem>>, vector<1x16xf32>,
      %get3A_346 = vector.shape_cast %get3A_345 : vector<1x16xf32> to vector<16xf32>
      %add3A_347 = arith.constant 0 : i32
      %add3A_348 = arith.addi %add3A_347, %scan3A_296 : i32
      %get3A_349 = arith.index_cast %add3A_348 : i32 to index
      %get3A_350 = arith.constant 48 : index
      %get3A_351 = tpu.vector_load %arg7[%get3A_349, %get3A_350] {strides = array<i32>} : memref<256x128xf32, #tpu.memory_space<vmem>>, vector<1x16xf32>,
      %get3A_352 = vector.shape_cast %get3A_351 : vector<1x16xf32> to vector<16xf32>
      %add3A_353 = arith.addf %get3A_346, %get3A_352 : vector<16xf32>
      %swap3A_354 = arith.index_cast %scan3A_296 : i32 to index
      %swap3A_355 = arith.constant 48 : index
      %swap3A_356 = tpu.vector_load %arg11[%swap3A_354, %swap3A_355] {strides = array<i32>} : memref<128x128xf32, #tpu.memory_space<vmem>>, vector<1x16xf32>,
      %swap3A_357 = vector.shape_cast %swap3A_356 : vector<1x16xf32> to vector<16xf32>
      %swap3A_358 = vector.shape_cast %add3A_353 : vector<16xf32> to vector<1x16xf32>
      tpu.vector_store %arg11[%swap3A_354, %swap3A_355], %swap3A_358 {strides = array<i32>} : memref<128x128xf32, #tpu.memory_space<vmem>>, vector<1x16xf32>,
      %get3A_359 = arith.index_cast %scan3A_296 : i32 to index
      %get3A_360 = arith.constant 64 : index
      %get3A_361 = tpu.vector_load %arg8[%get3A_359, %get3A_360] {strides = array<i32>} : memref<128x128xf32, #tpu.memory_space<vmem>>, vector<1x16xf32>,
      %get3A_362 = vector.shape_cast %get3A_361 : vector<1x16xf32> to vector<16xf32>
      %add3A_363 = arith.constant 0 : i32
      %add3A_364 = arith.addi %add3A_363, %scan3A_296 : i32
      %get3A_365 = arith.index_cast %add3A_364 : i32 to index
      %get3A_366 = arith.constant 64 : index
      %get3A_367 = tpu.vector_load %arg7[%get3A_365, %get3A_366] {strides = array<i32>} : memref<256x128xf32, #tpu.memory_space<vmem>>, vector<1x16xf32>,
      %get3A_368 = vector.shape_cast %get3A_367 : vector<1x16xf32> to vector<16xf32>
      %add3A_369 = arith.addf %get3A_362, %get3A_368 : vector<16xf32>
      %swap3A_370 = arith.index_cast %scan3A_296 : i32 to index
      %swap3A_371 = arith.constant 64 : index
      %swap3A_372 = tpu.vector_load %arg11[%swap3A_370, %swap3A_371] {strides = array<i32>} : memref<128x128xf32, #tpu.memory_space<vmem>>, vector<1x16xf32>,
      %swap3A_373 = vector.shape_cast %swap3A_372 : vector<1x16xf32> to vector<16xf32>
      %swap3A_374 = vector.shape_cast %add3A_369 : vector<16xf32> to vector<1x16xf32>
      tpu.vector_store %arg11[%swap3A_370, %swap3A_371], %swap3A_374 {strides = array<i32>} : memref<128x128xf32, #tpu.memory_space<vmem>>, vector<1x16xf32>,
      %get3A_375 = arith.index_cast %scan3A_296 : i32 to index
      %get3A_376 = arith.constant 80 : index
      %get3A_377 = tpu.vector_load %arg8[%get3A_375, %get3A_376] {strides = array<i32>} : memref<128x128xf32, #tpu.memory_space<vmem>>, vector<1x16xf32>,
      %get3A_378 = vector.shape_cast %get3A_377 : vector<1x16xf32> to vector<16xf32>
      %add3A_379 = arith.constant 0 : i32
      %add3A_380 = arith.addi %add3A_379, %scan3A_296 : i32
      %get3A_381 = arith.index_cast %add3A_380 : i32 to index
      %get3A_382 = arith.constant 80 : index
      %get3A_383 = tpu.vector_load %arg7[%get3A_381, %get3A_382] {strides = array<i32>} : memref<256x128xf32, #tpu.memory_space<vmem>>, vector<1x16xf32>,
      %get3A_384 = vector.shape_cast %get3A_383 : vector<1x16xf32> to vector<16xf32>
      %add3A_385 = arith.addf %get3A_378, %get3A_384 : vector<16xf32>
      %swap3A_386 = arith.index_cast %scan3A_296 : i32 to index
      %swap3A_387 = arith.constant 80 : index
      %swap3A_388 = tpu.vector_load %arg11[%swap3A_386, %swap3A_387] {strides = array<i32>} : memref<128x128xf32, #tpu.memory_space<vmem>>, vector<1x16xf32>,
      %swap3A_389 = vector.shape_cast %swap3A_388 : vector<1x16xf32> to vector<16xf32>
      %swap3A_390 = vector.shape_cast %add3A_385 : vector<16xf32> to vector<1x16xf32>
      tpu.vector_store %arg11[%swap3A_386, %swap3A_387], %swap3A_390 {strides = array<i32>} : memref<128x128xf32, #tpu.memory_space<vmem>>, vector<1x16xf32>,
      %get3A_391 = arith.index_cast %scan3A_296 : i32 to index
      %get3A_392 = arith.constant 96 : index
      %get3A_393 = tpu.vector_load %arg8[%get3A_391, %get3A_392] {strides = array<i32>} : memref<128x128xf32, #tpu.memory_space<vmem>>, vector<1x16xf32>,
      %get3A_394 = vector.shape_cast %get3A_393 : vector<1x16xf32> to vector<16xf32>
      %add3A_395 = arith.constant 0 : i32
      %add3A_396 = arith.addi %add3A_395, %scan3A_296 : i32
      %get3A_397 = arith.index_cast %add3A_396 : i32 to index
      %get3A_398 = arith.constant 96 : index
      %get3A_399 = tpu.vector_load %arg7[%get3A_397, %get3A_398] {strides = array<i32>} : memref<256x128xf32, #tpu.memory_space<vmem>>, vector<1x16xf32>,
      %get3A_400 = vector.shape_cast %get3A_399 : vector<1x16xf32> to vector<16xf32>
      %add3A_401 = arith.addf %get3A_394, %get3A_400 : vector<16xf32>
      %swap3A_402 = arith.index_cast %scan3A_296 : i32 to index
      %swap3A_403 = arith.constant 96 : index
      %swap3A_404 = tpu.vector_load %arg11[%swap3A_402, %swap3A_403] {strides = array<i32>} : memref<128x128xf32, #tpu.memory_space<vmem>>, vector<1x16xf32>,
      %swap3A_405 = vector.shape_cast %swap3A_404 : vector<1x16xf32> to vector<16xf32>
      %swap3A_406 = vector.shape_cast %add3A_401 : vector<16xf32> to vector<1x16xf32>
      tpu.vector_store %arg11[%swap3A_402, %swap3A_403], %swap3A_406 {strides = array<i32>} : memref<128x128xf32, #tpu.memory_space<vmem>>, vector<1x16xf32>,
      %get3A_407 = arith.index_cast %scan3A_296 : i32 to index
      %get3A_408 = arith.constant 112 : index
      %get3A_409 = tpu.vector_load %arg8[%get3A_407, %get3A_408] {strides = array<i32>} : memref<128x128xf32, #tpu.memory_space<vmem>>, vector<1x16xf32>,
      %get3A_410 = vector.shape_cast %get3A_409 : vector<1x16xf32> to vector<16xf32>
      %add3A_411 = arith.constant 0 : i32
      %add3A_412 = arith.addi %add3A_411, %scan3A_296 : i32
      %get3A_413 = arith.index_cast %add3A_412 : i32 to index
      %get3A_414 = arith.constant 112 : index
      %get3A_415 = tpu.vector_load %arg7[%get3A_413, %get3A_414] {strides = array<i32>} : memref<256x128xf32, #tpu.memory_space<vmem>>, vector<1x16xf32>,
      %get3A_416 = vector.shape_cast %get3A_415 : vector<1x16xf32> to vector<16xf32>
      %add3A_417 = arith.addf %get3A_410, %get3A_416 : vector<16xf32>
      %swap3A_418 = arith.index_cast %scan3A_296 : i32 to index
      %swap3A_419 = arith.constant 112 : index
      %swap3A_420 = tpu.vector_load %arg11[%swap3A_418, %swap3A_419] {strides = array<i32>} : memref<128x128xf32, #tpu.memory_space<vmem>>, vector<1x16xf32>,
      %swap3A_421 = vector.shape_cast %swap3A_420 : vector<1x16xf32> to vector<16xf32>
      %swap3A_422 = vector.shape_cast %add3A_417 : vector<16xf32> to vector<1x16xf32>
      tpu.vector_store %arg11[%swap3A_418, %swap3A_419], %swap3A_422 {strides = array<i32>} : memref<128x128xf32, #tpu.memory_space<vmem>>, vector<1x16xf32>,
    }
    %scan3A_243 = arith.constant 128 : i32
    %add3A_244 = arith.constant 0 : i32
    %add3A_245 = arith.addi %mul3A_2, %add3A_244 : i32
    %dma_start3A_246 = arith.constant 3 : i32
    %dma_start3A_247 = arith.constant 0 : i32
    %dma_start3A_248 = tpu.memref_slice %arg5[%dma_start3A_246, %add3A_245, %dma_start3A_247] : memref<4x8192x128xf32, #tpu.memory_space<hbm>> -> memref<1x128x128xf32, #tpu.memory_space<hbm>>
    %dma_start3A_249 = tpu.memref_squeeze %dma_start3A_248 : memref<1x128x128xf32, #tpu.memory_space<hbm>> -> memref<128x128xf32, #tpu.memory_space<hbm>>
    %dma_start3A_250 = arith.constant 0 : i32
    %dma_start3A_251 = tpu.memref_slice %arg5[%dma_start3A_246, %add3A_245, %dma_start3A_250] : memref<4x8192x128xf32, #tpu.memory_space<hbm>> -> memref<1x128x128xf32, #tpu.memory_space<hbm>>
    %dma_start3A_252 = tpu.memref_squeeze %dma_start3A_251 : memref<1x128x128xf32, #tpu.memory_space<hbm>> -> memref<128x128xf32, #tpu.memory_space<hbm>>
    tpu.enqueue_dma source(%arg11 : memref<128x128xf32, #tpu.memory_space<vmem>>) target(%dma_start3A_252 : memref<128x128xf32, #tpu.memory_space<hbm>>) target_semaphore(%arg16 : memref<!tpu.dma_semaphore, #tpu.memory_space<semaphore_mem>>)
    %dma_wait3A_253 = arith.constant 3 : i32
    %dma_wait3A_254 = arith.constant 128 : i32
    %dma_wait3A_255 = tpu.memref_slice %arg6[%dma_wait3A_253, %dma_wait3A_254] : memref<4x256xi32, #tpu.memory_space<vmem>> -> memref<1x128xi32, #tpu.memory_space<vmem>>
    %dma_wait3A_256 = tpu.memref_squeeze %dma_wait3A_255 : memref<1x128xi32, #tpu.memory_space<vmem>> -> memref<128xi32, #tpu.memory_space<vmem>>
    %dma_wait3A_257 = arith.constant 0 : i32
    %dma_wait3A_258 = arith.constant 0 : i32
    %dma_wait3A_259 = tpu.memref_slice %arg3[%dma_wait3A_257, %dma_wait3A_258] : memref<100000x128xf32, #tpu.memory_space<hbm>> -> memref<100000x128xf32, #tpu.memory_space<hbm>>
    tpu.wait_indirect_dma semaphore(%arg14 : memref<!tpu.dma_semaphore, #tpu.memory_space<semaphore_mem>>) src(%dma_wait3A_259 : memref<100000x128xf32, #tpu.memory_space<hbm>>) dst(%arg9 : memref<128x128xf32, #tpu.memory_space<vmem>>)
    %dma_wait3A_260 = arith.constant 2 : i32
    %dma_wait3A_261 = arith.constant 0 : i32
    %dma_wait3A_262 = tpu.memref_slice %arg5[%dma_wait3A_260, %add3A_216, %dma_wait3A_261] : memref<4x8192x128xf32, #tpu.memory_space<hbm>> -> memref<1x128x128xf32, #tpu.memory_space<hbm>>
    %dma_wait3A_263 = tpu.memref_squeeze %dma_wait3A_262 : memref<1x128x128xf32, #tpu.memory_space<hbm>> -> memref<128x128xf32, #tpu.memory_space<hbm>>
    %dma_wait3A_264 = arith.constant 0 : i32
    %dma_wait3A_265 = tpu.memref_slice %arg5[%dma_wait3A_260, %add3A_216, %dma_wait3A_264] : memref<4x8192x128xf32, #tpu.memory_space<hbm>> -> memref<1x128x128xf32, #tpu.memory_space<hbm>>
    %dma_wait3A_266 = tpu.memref_squeeze %dma_wait3A_265 : memref<1x128x128xf32, #tpu.memory_space<hbm>> -> memref<128x128xf32, #tpu.memory_space<hbm>>
    tpu.wait_dma2 semaphore(%arg17 : memref<!tpu.dma_semaphore, #tpu.memory_space<semaphore_mem>>) src(%arg12 : memref<128x128xf32, #tpu.memory_space<vmem>>) dst(%dma_wait3A_266 : memref<128x128xf32, #tpu.memory_space<hbm>>)
    %scan3A_267 = arith.constant 0 : i32
    %scan3A_268 = arith.constant 0 : i32
    %scan3A_269 = arith.constant 128 : i32
    %scan3A_270 = arith.addi %scan3A_268, %scan3A_269 : i32
    %scan3A_271 = arith.constant 1 : i32
    scf.for %scan3A_296 = %scan3A_268 to %scan3A_270 step %scan3A_271  : i32 {
      %get3A = arith.index_cast %scan3A_296 : i32 to index
      %get3A_297 = arith.constant 0 : index
      %get3A_298 = tpu.vector_load %arg9[%get3A, %get3A_297] {strides = array<i32>} : memref<128x128xf32, #tpu.memory_space<vmem>>, vector<1x16xf32>,
      %get3A_299 = vector.shape_cast %get3A_298 : vector<1x16xf32> to vector<16xf32>
      %add3A_300 = arith.constant 128 : i32
      %add3A_301 = arith.addi %add3A_300, %scan3A_296 : i32
      %get3A_302 = arith.index_cast %add3A_301 : i32 to index
      %get3A_303 = arith.constant 0 : index
      %get3A_304 = tpu.vector_load %arg7[%get3A_302, %get3A_303] {strides = array<i32>} : memref<256x128xf32, #tpu.memory_space<vmem>>, vector<1x16xf32>,
      %get3A_305 = vector.shape_cast %get3A_304 : vector<1x16xf32> to vector<16xf32>
      %add3A_306 = arith.addf %get3A_299, %get3A_305 : vector<16xf32>
      %swap3A = arith.index_cast %scan3A_296 : i32 to index
      %swap3A_307 = arith.constant 0 : index
      %swap3A_308 = tpu.vector_load %arg12[%swap3A, %swap3A_307] {strides = array<i32>} : memref<128x128xf32, #tpu.memory_space<vmem>>, vector<1x16xf32>,
      %swap3A_309 = vector.shape_cast %swap3A_308 : vector<1x16xf32> to vector<16xf32>
      %swap3A_310 = vector.shape_cast %add3A_306 : vector<16xf32> to vector<1x16xf32>
      tpu.vector_store %arg12[%swap3A, %swap3A_307], %swap3A_310 {strides = array<i32>} : memref<128x128xf32, #tpu.memory_space<vmem>>, vector<1x16xf32>,
      %get3A_311 = arith.index_cast %scan3A_296 : i32 to index
      %get3A_312 = arith.constant 16 : index
      %get3A_313 = tpu.vector_load %arg9[%get3A_311, %get3A_312] {strides = array<i32>} : memref<128x128xf32, #tpu.memory_space<vmem>>, vector<1x16xf32>,
      %get3A_314 = vector.shape_cast %get3A_313 : vector<1x16xf32> to vector<16xf32>
      %add3A_315 = arith.constant 128 : i32
      %add3A_316 = arith.addi %add3A_315, %scan3A_296 : i32
      %get3A_317 = arith.index_cast %add3A_316 : i32 to index
      %get3A_318 = arith.constant 16 : index
      %get3A_319 = tpu.vector_load %arg7[%get3A_317, %get3A_318] {strides = array<i32>} : memref<256x128xf32, #tpu.memory_space<vmem>>, vector<1x16xf32>,
      %get3A_320 = vector.shape_cast %get3A_319 : vector<1x16xf32> to vector<16xf32>
      %add3A_321 = arith.addf %get3A_314, %get3A_320 : vector<16xf32>
      %swap3A_322 = arith.index_cast %scan3A_296 : i32 to index
      %swap3A_323 = arith.constant 16 : index
      %swap3A_324 = tpu.vector_load %arg12[%swap3A_322, %swap3A_323] {strides = array<i32>} : memref<128x128xf32, #tpu.memory_space<vmem>>, vector<1x16xf32>,
      %swap3A_325 = vector.shape_cast %swap3A_324 : vector<1x16xf32> to vector<16xf32>
      %swap3A_326 = vector.shape_cast %add3A_321 : vector<16xf32> to vector<1x16xf32>
      tpu.vector_store %arg12[%swap3A_322, %swap3A_323], %swap3A_326 {strides = array<i32>} : memref<128x128xf32, #tpu.memory_space<vmem>>, vector<1x16xf32>,
      %get3A_327 = arith.index_cast %scan3A_296 : i32 to index
      %get3A_328 = arith.constant 32 : index
      %get3A_329 = tpu.vector_load %arg9[%get3A_327, %get3A_328] {strides = array<i32>} : memref<128x128xf32, #tpu.memory_space<vmem>>, vector<1x16xf32>,
      %get3A_330 = vector.shape_cast %get3A_329 : vector<1x16xf32> to vector<16xf32>
      %add3A_331 = arith.constant 128 : i32
      %add3A_332 = arith.addi %add3A_331, %scan3A_296 : i32
      %get3A_333 = arith.index_cast %add3A_332 : i32 to index
      %get3A_334 = arith.constant 32 : index
      %get3A_335 = tpu.vector_load %arg7[%get3A_333, %get3A_334] {strides = array<i32>} : memref<256x128xf32, #tpu.memory_space<vmem>>, vector<1x16xf32>,
      %get3A_336 = vector.shape_cast %get3A_335 : vector<1x16xf32> to vector<16xf32>
      %add3A_337 = arith.addf %get3A_330, %get3A_336 : vector<16xf32>
      %swap3A_338 = arith.index_cast %scan3A_296 : i32 to index
      %swap3A_339 = arith.constant 32 : index
      %swap3A_340 = tpu.vector_load %arg12[%swap3A_338, %swap3A_339] {strides = array<i32>} : memref<128x128xf32, #tpu.memory_space<vmem>>, vector<1x16xf32>,
      %swap3A_341 = vector.shape_cast %swap3A_340 : vector<1x16xf32> to vector<16xf32>
      %swap3A_342 = vector.shape_cast %add3A_337 : vector<16xf32> to vector<1x16xf32>
      tpu.vector_store %arg12[%swap3A_338, %swap3A_339], %swap3A_342 {strides = array<i32>} : memref<128x128xf32, #tpu.memory_space<vmem>>, vector<1x16xf32>,
      %get3A_343 = arith.index_cast %scan3A_296 : i32 to index
      %get3A_344 = arith.constant 48 : index
      %get3A_345 = tpu.vector_load %arg9[%get3A_343, %get3A_344] {strides = array<i32>} : memref<128x128xf32, #tpu.memory_space<vmem>>, vector<1x16xf32>,
      %get3A_346 = vector.shape_cast %get3A_345 : vector<1x16xf32> to vector<16xf32>
      %add3A_347 = arith.constant 128 : i32
      %add3A_348 = arith.addi %add3A_347, %scan3A_296 : i32
      %get3A_349 = arith.index_cast %add3A_348 : i32 to index
      %get3A_350 = arith.constant 48 : index
      %get3A_351 = tpu.vector_load %arg7[%get3A_349, %get3A_350] {strides = array<i32>} : memref<256x128xf32, #tpu.memory_space<vmem>>, vector<1x16xf32>,
      %get3A_352 = vector.shape_cast %get3A_351 : vector<1x16xf32> to vector<16xf32>
      %add3A_353 = arith.addf %get3A_346, %get3A_352 : vector<16xf32>
      %swap3A_354 = arith.index_cast %scan3A_296 : i32 to index
      %swap3A_355 = arith.constant 48 : index
      %swap3A_356 = tpu.vector_load %arg12[%swap3A_354, %swap3A_355] {strides = array<i32>} : memref<128x128xf32, #tpu.memory_space<vmem>>, vector<1x16xf32>,
      %swap3A_357 = vector.shape_cast %swap3A_356 : vector<1x16xf32> to vector<16xf32>
      %swap3A_358 = vector.shape_cast %add3A_353 : vector<16xf32> to vector<1x16xf32>
      tpu.vector_store %arg12[%swap3A_354, %swap3A_355], %swap3A_358 {strides = array<i32>} : memref<128x128xf32, #tpu.memory_space<vmem>>, vector<1x16xf32>,
      %get3A_359 = arith.index_cast %scan3A_296 : i32 to index
      %get3A_360 = arith.constant 64 : index
      %get3A_361 = tpu.vector_load %arg9[%get3A_359, %get3A_360] {strides = array<i32>} : memref<128x128xf32, #tpu.memory_space<vmem>>, vector<1x16xf32>,
      %get3A_362 = vector.shape_cast %get3A_361 : vector<1x16xf32> to vector<16xf32>
      %add3A_363 = arith.constant 128 : i32
      %add3A_364 = arith.addi %add3A_363, %scan3A_296 : i32
      %get3A_365 = arith.index_cast %add3A_364 : i32 to index
      %get3A_366 = arith.constant 64 : index
      %get3A_367 = tpu.vector_load %arg7[%get3A_365, %get3A_366] {strides = array<i32>} : memref<256x128xf32, #tpu.memory_space<vmem>>, vector<1x16xf32>,
      %get3A_368 = vector.shape_cast %get3A_367 : vector<1x16xf32> to vector<16xf32>
      %add3A_369 = arith.addf %get3A_362, %get3A_368 : vector<16xf32>
      %swap3A_370 = arith.index_cast %scan3A_296 : i32 to index
      %swap3A_371 = arith.constant 64 : index
      %swap3A_372 = tpu.vector_load %arg12[%swap3A_370, %swap3A_371] {strides = array<i32>} : memref<128x128xf32, #tpu.memory_space<vmem>>, vector<1x16xf32>,
      %swap3A_373 = vector.shape_cast %swap3A_372 : vector<1x16xf32> to vector<16xf32>
      %swap3A_374 = vector.shape_cast %add3A_369 : vector<16xf32> to vector<1x16xf32>
      tpu.vector_store %arg12[%swap3A_370, %swap3A_371], %swap3A_374 {strides = array<i32>} : memref<128x128xf32, #tpu.memory_space<vmem>>, vector<1x16xf32>,
      %get3A_375 = arith.index_cast %scan3A_296 : i32 to index
      %get3A_376 = arith.constant 80 : index
      %get3A_377 = tpu.vector_load %arg9[%get3A_375, %get3A_376] {strides = array<i32>} : memref<128x128xf32, #tpu.memory_space<vmem>>, vector<1x16xf32>,
      %get3A_378 = vector.shape_cast %get3A_377 : vector<1x16xf32> to vector<16xf32>
      %add3A_379 = arith.constant 128 : i32
      %add3A_380 = arith.addi %add3A_379, %scan3A_296 : i32
      %get3A_381 = arith.index_cast %add3A_380 : i32 to index
      %get3A_382 = arith.constant 80 : index
      %get3A_383 = tpu.vector_load %arg7[%get3A_381, %get3A_382] {strides = array<i32>} : memref<256x128xf32, #tpu.memory_space<vmem>>, vector<1x16xf32>,
      %get3A_384 = vector.shape_cast %get3A_383 : vector<1x16xf32> to vector<16xf32>
      %add3A_385 = arith.addf %get3A_378, %get3A_384 : vector<16xf32>
      %swap3A_386 = arith.index_cast %scan3A_296 : i32 to index
      %swap3A_387 = arith.constant 80 : index
      %swap3A_388 = tpu.vector_load %arg12[%swap3A_386, %swap3A_387] {strides = array<i32>} : memref<128x128xf32, #tpu.memory_space<vmem>>, vector<1x16xf32>,
      %swap3A_389 = vector.shape_cast %swap3A_388 : vector<1x16xf32> to vector<16xf32>
      %swap3A_390 = vector.shape_cast %add3A_385 : vector<16xf32> to vector<1x16xf32>
      tpu.vector_store %arg12[%swap3A_386, %swap3A_387], %swap3A_390 {strides = array<i32>} : memref<128x128xf32, #tpu.memory_space<vmem>>, vector<1x16xf32>,
      %get3A_391 = arith.index_cast %scan3A_296 : i32 to index
      %get3A_392 = arith.constant 96 : index
      %get3A_393 = tpu.vector_load %arg9[%get3A_391, %get3A_392] {strides = array<i32>} : memref<128x128xf32, #tpu.memory_space<vmem>>, vector<1x16xf32>,
      %get3A_394 = vector.shape_cast %get3A_393 : vector<1x16xf32> to vector<16xf32>
      %add3A_395 = arith.constant 128 : i32
      %add3A_396 = arith.addi %add3A_395, %scan3A_296 : i32
      %get3A_397 = arith.index_cast %add3A_396 : i32 to index
      %get3A_398 = arith.constant 96 : index
      %get3A_399 = tpu.vector_load %arg7[%get3A_397, %get3A_398] {strides = array<i32>} : memref<256x128xf32, #tpu.memory_space<vmem>>, vector<1x16xf32>,
      %get3A_400 = vector.shape_cast %get3A_399 : vector<1x16xf32> to vector<16xf32>
      %add3A_401 = arith.addf %get3A_394, %get3A_400 : vector<16xf32>
      %swap3A_402 = arith.index_cast %scan3A_296 : i32 to index
      %swap3A_403 = arith.constant 96 : index
      %swap3A_404 = tpu.vector_load %arg12[%swap3A_402, %swap3A_403] {strides = array<i32>} : memref<128x128xf32, #tpu.memory_space<vmem>>, vector<1x16xf32>,
      %swap3A_405 = vector.shape_cast %swap3A_404 : vector<1x16xf32> to vector<16xf32>
      %swap3A_406 = vector.shape_cast %add3A_401 : vector<16xf32> to vector<1x16xf32>
      tpu.vector_store %arg12[%swap3A_402, %swap3A_403], %swap3A_406 {strides = array<i32>} : memref<128x128xf32, #tpu.memory_space<vmem>>, vector<1x16xf32>,
      %get3A_407 = arith.index_cast %scan3A_296 : i32 to index
      %get3A_408 = arith.constant 112 : index
      %get3A_409 = tpu.vector_load %arg9[%get3A_407, %get3A_408] {strides = array<i32>} : memref<128x128xf32, #tpu.memory_space<vmem>>, vector<1x16xf32>,
      %get3A_410 = vector.shape_cast %get3A_409 : vector<1x16xf32> to vector<16xf32>
      %add3A_411 = arith.constant 128 : i32
      %add3A_412 = arith.addi %add3A_411, %scan3A_296 : i32
      %get3A_413 = arith.index_cast %add3A_412 : i32 to index
      %get3A_414 = arith.constant 112 : index
      %get3A_415 = tpu.vector_load %arg7[%get3A_413, %get3A_414] {strides = array<i32>} : memref<256x128xf32, #tpu.memory_space<vmem>>, vector<1x16xf32>,
      %get3A_416 = vector.shape_cast %get3A_415 : vector<1x16xf32> to vector<16xf32>
      %add3A_417 = arith.addf %get3A_410, %get3A_416 : vector<16xf32>
      %swap3A_418 = arith.index_cast %scan3A_296 : i32 to index
      %swap3A_419 = arith.constant 112 : index
      %swap3A_420 = tpu.vector_load %arg12[%swap3A_418, %swap3A_419] {strides = array<i32>} : memref<128x128xf32, #tpu.memory_space<vmem>>, vector<1x16xf32>,
      %swap3A_421 = vector.shape_cast %swap3A_420 : vector<1x16xf32> to vector<16xf32>
      %swap3A_422 = vector.shape_cast %add3A_417 : vector<16xf32> to vector<1x16xf32>
      tpu.vector_store %arg12[%swap3A_418, %swap3A_419], %swap3A_422 {strides = array<i32>} : memref<128x128xf32, #tpu.memory_space<vmem>>, vector<1x16xf32>,
    }
    %scan3A_272 = arith.constant 128 : i32
    %add3A_273 = arith.constant 128 : i32
    %add3A_274 = arith.addi %mul3A_2, %add3A_273 : i32
    %dma_start3A_275 = arith.constant 3 : i32
    %dma_start3A_276 = arith.constant 0 : i32
    %dma_start3A_277 = tpu.memref_slice %arg5[%dma_start3A_275, %add3A_274, %dma_start3A_276] : memref<4x8192x128xf32, #tpu.memory_space<hbm>> -> memref<1x128x128xf32, #tpu.memory_space<hbm>>
    %dma_start3A_278 = tpu.memref_squeeze %dma_start3A_277 : memref<1x128x128xf32, #tpu.memory_space<hbm>> -> memref<128x128xf32, #tpu.memory_space<hbm>>
    %dma_start3A_279 = arith.constant 0 : i32
    %dma_start3A_280 = tpu.memref_slice %arg5[%dma_start3A_275, %add3A_274, %dma_start3A_279] : memref<4x8192x128xf32, #tpu.memory_space<hbm>> -> memref<1x128x128xf32, #tpu.memory_space<hbm>>
    %dma_start3A_281 = tpu.memref_squeeze %dma_start3A_280 : memref<1x128x128xf32, #tpu.memory_space<hbm>> -> memref<128x128xf32, #tpu.memory_space<hbm>>
    tpu.enqueue_dma source(%arg12 : memref<128x128xf32, #tpu.memory_space<vmem>>) target(%dma_start3A_281 : memref<128x128xf32, #tpu.memory_space<hbm>>) target_semaphore(%arg17 : memref<!tpu.dma_semaphore, #tpu.memory_space<semaphore_mem>>)
    %dma_wait3A_282 = arith.constant 3 : i32
    %dma_wait3A_283 = arith.constant 0 : i32
    %dma_wait3A_284 = tpu.memref_slice %arg5[%dma_wait3A_282, %add3A_245, %dma_wait3A_283] : memref<4x8192x128xf32, #tpu.memory_space<hbm>> -> memref<1x128x128xf32, #tpu.memory_space<hbm>>
    %dma_wait3A_285 = tpu.memref_squeeze %dma_wait3A_284 : memref<1x128x128xf32, #tpu.memory_space<hbm>> -> memref<128x128xf32, #tpu.memory_space<hbm>>
    %dma_wait3A_286 = arith.constant 0 : i32
    %dma_wait3A_287 = tpu.memref_slice %arg5[%dma_wait3A_282, %add3A_245, %dma_wait3A_286] : memref<4x8192x128xf32, #tpu.memory_space<hbm>> -> memref<1x128x128xf32, #tpu.memory_space<hbm>>
    %dma_wait3A_288 = tpu.memref_squeeze %dma_wait3A_287 : memref<1x128x128xf32, #tpu.memory_space<hbm>> -> memref<128x128xf32, #tpu.memory_space<hbm>>
    tpu.wait_dma2 semaphore(%arg16 : memref<!tpu.dma_semaphore, #tpu.memory_space<semaphore_mem>>) src(%arg11 : memref<128x128xf32, #tpu.memory_space<vmem>>) dst(%dma_wait3A_288 : memref<128x128xf32, #tpu.memory_space<hbm>>)
    %dma_wait3A_289 = arith.constant 3 : i32
    %dma_wait3A_290 = arith.constant 0 : i32
    %dma_wait3A_291 = tpu.memref_slice %arg5[%dma_wait3A_289, %add3A_274, %dma_wait3A_290] : memref<4x8192x128xf32, #tpu.memory_space<hbm>> -> memref<1x128x128xf32, #tpu.memory_space<hbm>>
    %dma_wait3A_292 = tpu.memref_squeeze %dma_wait3A_291 : memref<1x128x128xf32, #tpu.memory_space<hbm>> -> memref<128x128xf32, #tpu.memory_space<hbm>>
    %dma_wait3A_293 = arith.constant 0 : i32
    %dma_wait3A_294 = tpu.memref_slice %arg5[%dma_wait3A_289, %add3A_274, %dma_wait3A_293] : memref<4x8192x128xf32, #tpu.memory_space<hbm>> -> memref<1x128x128xf32, #tpu.memory_space<hbm>>
    %dma_wait3A_295 = tpu.memref_squeeze %dma_wait3A_294 : memref<1x128x128xf32, #tpu.memory_space<hbm>> -> memref<128x128xf32, #tpu.memory_space<hbm>>
    tpu.wait_dma2 semaphore(%arg17 : memref<!tpu.dma_semaphore, #tpu.memory_space<semaphore_mem>>) src(%arg12 : memref<128x128xf32, #tpu.memory_space<vmem>>) dst(%dma_wait3A_295 : memref<128x128xf32, #tpu.memory_space<hbm>>)
    return
  }
}

</mosaic_0001>

<sc_bundles>
// kernel: kernel.3.cloned.1.call-start
scs
__scs_entry_jumppad:
0x0: {  	(pc) =	sbr.rel $0x88, $3  }
0x1: {  	(tag) =	ssettag $0x0;
	lr =	simm.s32 $0x1  }
0x2: {  	[smem:$0x3F9E] =	sst lr;
	_ =	strace $0xD0000000  }
0x3: {  	_ = 	snop  }
0x4: {  	_ = 	snop  }
0x5: {  	_ = 	snop  }
0x6: {  	_ = 	snop  }
0x7: {  	_ = 	snop  }
__scs_overlays_trampoline_lowered:
0x8: {  	[smem:$0x3FAD] =	sst s0  }
0x9: {  	[smem:$0x3FAE] =	sst s1  }
0xa: {  	[smem:$0x3FAF] =	sst s2  }
0xb: {  	[smem:$0x3FB0] =	sst s3  }
0xc: {  	[smem:$0x3FB1] =	sst s4  }
0xd: {  	[smem:$0x3FB2] =	sst s5  }
0xe: {  	[smem:$0x3FB3] =	sst s6  }
0xf: {  	[smem:$0x3FB4] =	sst s7  }
0x10: {  	[smem:$0x3FB5] =	sst s8  }
0x11: {  	[smem:$0x3FB6] =	sst s9;
	s0 =	simm.s32 @!p0 $0x0  }
0x12: {  	s1 =	sld [smem:$0x3F9C];
	s0 =	simm.s32 @p0 $0x1  }
0x13: {  	[smem:$0x3FB7] =	sst s0;
	s0 =	simm.s32 @!p1 $0x0  }
0x14: {  	s2 =	sld [smem:$0x3F9B];
	s0 =	simm.s32 @p1 $0x1  }
0x15: {  	[smem:$0x3FB8] =	sst s0;
	s0 =	simm.s32 @!p2 $0x0  }
0x16: {  	s3 =	sld [smem:$0x3FDB];
	s0 =	simm.s32 @p2 $0x1  }
0x17: {  	s4 =	simm.s32 $0x1BF5;
	[smem:$0x3FBA] =	sst s0  }
0x18: {  	s0 =	sld [smem:$0x3F9D];
	_ =	swait.ge [sflag:s4], $0x0  }
0x19: {  	s7 =	sld [smem:$0x3F9E]  }
0x1a: {  	s8 =	sadd.s32 $0xFFFFE003, lr  }
0x1b: {  	s9 =	sadd.s32 $0xFFFFFEF7, lr;
	s5 =	simm.s32 $0xFFFFFFFF;
	p2 =	slt.u32 s8, $0xFFFFF086  }
0x1c: {  	p1 =	slt.u32 s9, $0xF7A;
	s5 =	simm.s32 @!p2 $0x0  }
0x1d: {  	s5 =	simm.s32 @p1 $0x1;
	p0 =	seq.s32 s7, s2  }
0x1e: {  	s7 =	smul.u32 @!p0 $0xF7A, s2;
	p2 =	seq.s32 @!p0 s5, $0x0  }
0x1f: {  	s9 =	smul.u32 $0xF7A, s1;
	s8 =	simm.s32 @!p0 $0x1BF5;
	p2 =	por !p2, p0  }
0x20: {  	[sflag:s8] =	ssyncset.s32 @!p0 $0xFFFFF086;
	s6 =	sadd.s32 @!p0 s3, s7;
	s7 =	simm.s32 @!p0 $0x108  }
0x21: {  	s3 =	sadd.s32 s3, s9;
	s6 =	sadd.s32 @!p0 $0x88, s6;
	s7 =	simm.s32 @p2 $0x1082  }
0x22: {  	[simem:s7], [sflag:s8] =	dma.local @!p0 [hbm:s6], $0xF7A  }
0x23: {  	s9 =	sor.u32 $0xD0000000, s2;
	s6 =	simm.s32 $0x108;
	_ =	swait.ge @!p0 [sflag:s8], $0x0  }
0x24: {  	s3 =	sadd.s32 $0x88, s3;
	s6 =	simm.s32 @!p1 $0x1082;
	[sflag:s4] =	ssyncset.s32 $0xFFFFF086  }
0x25: {  	[simem:s6], [sflag:s4] =	dma.local [hbm:s3], $0xF7A  }
0x26: {  	[smem:$0x3F9E] =	sst s1;
	(tag) =	ssettag s2;
	_ =	strace s9  }
0x27: {  	s1 =	sld [smem:$0x3FAE]  }
0x28: {  	s2 =	sld [smem:$0x3FAF]  }
0x29: {  	s4 =	sld [smem:$0x3FB1]  }
0x2a: {  	p0 =	seq.s32 s5, $0x0;
	s5 =	sld [smem:$0x3FB2]  }
0x2b: {  	s6 =	sld [smem:$0x3FB3]  }
0x2c: {  	s7 =	sld [smem:$0x3FB4]  }
0x2d: {  	s3 =	simm.s32 $0x108;
	s8 =	sld [smem:$0x3FB5]  }
0x2e: {  	s3 =	simm.s32 @!p0 $0x1082;
	s9 =	sld [smem:$0x3FB6]  }
0x2f: {  	lr =	sadd.s32 s0, s3;
	s0 =	sld [smem:$0x3FAD]  }
0x30: {  	s3 =	sld [smem:$0x3FB0]  }
0x31: {  	[smem:$0x3FB9] =	sst s10  }
0x32: {  	s10 =	sld [smem:$0x3FB7];
	_ =	sdelay $0x3  }
0x33: {  	p0 =	seq.s32 s10, $0x1;
	s10 =	sld [smem:$0x3FB9];
	_ =	sdelay $0x3  }
0x34: {  	[smem:$0x3FB9] =	sst s10  }
0x35: {  	s10 =	sld [smem:$0x3FB8];
	_ =	sdelay $0x3  }
0x36: {  	p1 =	seq.s32 s10, $0x1;
	s10 =	sld [smem:$0x3FB9];
	_ =	sdelay $0x3  }
0x37: {  	[smem:$0x3FB9] =	sst s10  }
0x38: {  	s10 =	sld [smem:$0x3FBA]  }
0x39: {  	_ = 	snop;
	(pc) =	sbr.ind lr, $3  }
0x3a: {  	_ = 	snop  }
0x3b: {  	_ = 	snop  }
0x3c: {  	p2 =	seq.s32 s10, $0x1;
	s10 =	sld [smem:$0x3FB9]  }
0x3d: {  	_ =	shalt  }
0x3e: {  	_ =	shalt  }
0x3f: {  	_ =	shalt  }
0x40: {  	_ =	shalt  }
0x41: {  	_ =	shalt  }
0x42: {  	_ =	shalt  }
0x43: {  	_ =	shalt  }
0x44: {  	_ =	shalt  }
0x45: {  	_ =	shalt  }
0x46: {  	_ =	shalt  }
0x47: {  	_ =	shalt  }
0x48: {  	_ =	shalt  }
0x49: {  	_ =	shalt  }
0x4a: {  	_ =	shalt  }
0x4b: {  	_ =	shalt  }
0x4c: {  	_ =	shalt  }
0x4d: {  	_ =	shalt  }
0x4e: {  	_ =	shalt  }
0x4f: {  	_ =	shalt  }
0x50: {  	_ =	shalt  }
0x51: {  	_ =	shalt  }
0x52: {  	_ =	shalt  }
0x53: {  	_ =	shalt  }
0x54: {  	_ =	shalt  }
0x55: {  	_ =	shalt  }
0x56: {  	_ =	shalt  }
0x57: {  	_ =	shalt  }
0x58: {  	_ =	shalt  }
0x59: {  	_ =	shalt  }
0x5a: {  	_ =	shalt  }
0x5b: {  	_ =	shalt  }
0x5c: {  	_ =	shalt  }
0x5d: {  	_ =	shalt  }
0x5e: {  	_ =	shalt  }
0x5f: {  	_ =	shalt  }
0x60: {  	_ =	shalt  }
0x61: {  	_ =	shalt  }
0x62: {  	_ =	shalt  }
0x63: {  	_ =	shalt  }
0x64: {  	_ =	shalt  }
0x65: {  	_ =	shalt  }
0x66: {  	_ =	shalt  }
0x67: {  	_ =	shalt  }
0x68: {  	_ =	shalt  }
0x69: {  	_ =	shalt  }
0x6a: {  	_ =	shalt  }
0x6b: {  	_ =	shalt  }
0x6c: {  	_ =	shalt  }
0x6d: {  	_ =	shalt  }
0x6e: {  	_ =	shalt  }
0x6f: {  	_ =	shalt  }
0x70: {  	_ =	shalt  }
0x71: {  	_ =	shalt  }
0x72: {  	_ =	shalt  }
0x73: {  	_ =	shalt  }
0x74: {  	_ =	shalt  }
0x75: {  	_ =	shalt  }
0x76: {  	_ =	shalt  }
0x77: {  	_ =	shalt  }
0x78: {  	_ =	shalt  }
0x79: {  	_ =	shalt  }
0x7a: {  	_ =	shalt  }
0x7b: {  	_ =	shalt  }
0x7c: {  	_ =	shalt  }
0x7d: {  	_ =	shalt  }
0x7e: {  	_ =	shalt  }
0x7f: {  	_ =	shalt  }
0x80: {  	_ =	shalt  }
0x81: {  	_ =	shalt  }
0x82: {  	_ =	shalt  }
0x83: {  	_ =	shalt  }
0x84: {  	_ =	shalt  }
0x85: {  	_ =	shalt  }
0x86: {  	_ =	shalt  }
0x87: {  	_ =	shalt  }
.Lfunc_end0:
.L_simem_size_0:
called_computation_lowered:
.L_overlay_start_0:
0x88: {  	s2 =	sld [smem:$0x3FD9]  }
0x89: {  	s3 =	sld [smem:$0x3FFE];
	_ =	sdelay $0x1  }
0x8a: {  	s1 =	srdreg.scid  }
0x8b: {  	s0 =	sand.u32 $0x1, s1  }
0x8c: {  	s18 =	sshll.u32 s0, $0xA;
	s2 =	sadd.s32 s3, s2  }
0x8d: {  	s2 =	sadd.s32 s2, s18  }
0x8e: {  	[smem:$0x3FC5] =	sst s2  }
0x8f: {  	_ = 	snop  }
0x90: {  	s2 =	sld [smem:$0x3FC9]  }
0x91: {  	s19 =	sld [smem:$0x3FC8]  }
0x92: {  	s4 =	sld [smem:$0x3FC7]  }
0x93: {  	s5 =	sld [smem:$0x3FD0];
	(tm) =	ssettm $0x1  }
0x94: {  	s6 =	sld [smem:$0x3FFB];
	_ =	sdelay $0x3  }
0x95: {  	_ =	strace s6  }
0x96: {  	s6 =	sld [smem:$0x3FFC];
	_ =	sdelay $0x3  }
0x97: {  	_ =	strace s6  }
0x98: {  	s6 =	sld [smem:$0x3FFD];
	_ =	sdelay $0x3  }
0x99: {  	_ =	strace s6  }
0x9a: {  	_ =	strace $0x8FFFFFFF  }
0x9b: {  	s20 =	sld [smem:$0x3FDB];
	_ =	sdelay $0x1  }
0x9c: {  	s7 =	simm.s32 $_scs_section_size  }
0x9d: {  	s8 =	simm.s32 $_size__tile_overlayer_lowered;
	s9 =	simm.s32 $_tile_overlayer_lowered  }
0x9e: {  	s23 =	simm.s32 $0x1BFF;
	s22 =	sshll.u32 s9, $0x1;
	s6 =	sadd.s32 s7, s20  }
0x9f: {  	s10 =	simm.s32 $0x0;
	s21 =	sshll.u32 s8, $0x1;
	s8 =	sadd.s32 s22, s6  }
0xa0: {  	[timem:s10], [sflag:s23] =	dma.local [hbm:s8], s21  }
0xa1: {  	_ =	swait.ge [sflag:s23], s21  }
0xa2: {  	s7 =	ssub.s32 $0x0, s21;
	[sflag:s23] =	ssyncset.done $0x0  }
0xa3: {  	[sflag:s23] =	ssyncadd.s32 s7;
	_ =	sdelay $0x1  }
0xa4: {  	s24 =	simm.s32 $0x1B8B  }
0xa5: {  	_ =	swait.ge [sflag:s24], $0x1  }
0xa6: {  	[sflag:s24] =	ssyncset.done $0x0  }
0xa7: {  	s25 =	simm.s32 $0x1B8E;
	[sflag:s24] =	ssyncadd.s32 $0xFFFFFFFF  }
0xa8: {  	s26 =	simm.s32 $execute0_lowered;
	[smem:$0x3FD2] =	sst s25  }
0xa9: {  	s7 =	sshll.u32 s26, $0x1;
	_ =	strace $0x80000046;
	[dreg:$0x1] =	wrdreg $0xFFFFFFFF  }
0xaa: {  	s28 =	simm.s32 $_size_execute0_lowered;
	s6 =	sadd.s32 s6, s7;
	[dreg:$0x0] =	wrdreg $0x0  }
0xab: {  	s7 =	sshll.u32 s28, $0x1;
	[dreg:$0x2] =	wrdreg s6  }
0xac: {  	[dreg:$0x3] =	wrdreg s7  }
0xad: {  	[dreg:$0x4] =	wrdreg $0xC0  }
0xae: {  	_ =	task [dreg:s10], $0x5FFFF  }
0xaf: {  	[dreg:$0x1] =	wrdreg $0xFFFFFFFF  }
0xb0: {  	[dreg:$0x0] =	wrdreg $0x60  }
0xb1: {  	[dreg:$0x2] =	wrdreg s2  }
0xb2: {  	[dreg:$0x3] =	wrdreg s19  }
0xb3: {  	[dreg:$0x4] =	wrdreg s4  }
0xb4: {  	[dreg:$0x5] =	wrdreg s5  }
0xb5: {  	[dreg:$0x6] =	wrdreg $0x9  }
0xb6: {  	_ =	task.clear_ibuf [dreg:s10], $0x7FFFF;
	_ =	strace $0x90000046  }
0xb7: {  	s29 =	simm.s32 $0x9;
	_ =	strace $0x80000048  }
0xb8: {  	_ =	swait.ge [sflag:s29], $0x1  }
0xb9: {  	[sflag:s29] =	ssyncadd.s32 $0xFFFFFFFF  }
0xba: {  	_ =	strace $0x90000048  }
0xbb: {  	_ =	sfence  }
0xbc: {  	s30 =	sld [smem:$0x0];
	_ =	sdelay $0x2  }
0xbd: {  	s31 =	sshll.u32 s1, $0xD;
	s1 =	sshrl.u32 s1, $0x2  }
0xbe: {  	s3 =	sand.u32 $0x4000, s31;
	s1 =	sadd.s32 s1, s30  }
0xbf: {  	s0 =	sor.u32 s3, s0;
	s1 =	sshll.u32 s1, $0x11  }
0xc0: {  	s0 =	sor.u32 s1, s0  }
0xc1: {  	s0 =	sadd.s32 $0x8F2B, s0  }
0xc2: {  	[sflag:s0] =	ssyncadd.remote.s32 $0x1  }
0xc3: {  	_ =	sfence.sel $0xFFFF  }
0xc4: {  	[dreg:$0x0] =	wrdreg $0xFFFFFFFF;
	(pc) =	sbr.abs _section_cstart, $3  }
0xc5: {  	[dreg:$0x1] =	wrdreg $0xFFFFFFFF  }
0xc6: {  	_ =	task.clear_ibuf [dreg:s10], $0x2FFFF;
	_ =	strace $0x9FFFFFFF  }
0xc7: {  	(tm) =	ssettm $0x7FFFFFFF  }
tec
execute0_lowered:
.L_overlay_start_1:
0x0: {  	(tag) =	ssettag $0x1  }
0x1: {  	s0 =	rddreg [dreg:$0x0]  }
0x2: {  	s1 =	rddreg [dreg:$0x1]  }
0x3: {  	s2 =	rddreg [dreg:$0x2]  }
0x4: {  	s4 =	rddreg [dreg:$0x3];
	s3 =	srdreg.scid  }
0x5: {  	s6 =	stileid.u32;
	s15 =	simm.s32 $0x6;
	s17 =	simm.s32 $0x80  }
0x6: {  	s18 =	simm.s32 $0x8400;
	s20 =	simm.s32 $0xC400;
	s21 =	simm.s32 $0x10400  }
0x7: {  	s22 =	simm.s32 $0x4;
	s23 =	simm.s32 $0x1;
	s25 =	simm.s32 $0x14400  }
0x8: {  	s26 =	simm.s32 $0x2;
	s29 =	simm.s32 $0x18400;
	s30 =	simm.s32 $0x3  }
0x9: {  	s16 =	simm.s32 $0x380;
	s19 =	simm.s32 $0x0;
	s5 =	sand.u32 $0x1, s3  }
0xa: {  	s3 =	simm.s32 $0x0;
	s6 =	sshll.u32 s6, $0x9;
	s7 =	sshll.u32 s5, $0x8  }
0xb: {  	[smem:$0x7FF] =	sst s3;
	s5 =	ssub.s32 $0x2, s5;
	s6 =	sor.u32 s7, s6  }
0xc: {  	_ =	strace $0x80000047;
	s28 =	sshrl.u32 s5, $0x1;
	s8 =	sshll.u32 s6, $0x4  }
0xd: {  	s14 =	ssub.s32 s5, s28;
	s31 =	sshrl.u32 s6, $0x1;
	s4 =	sadd.s32 s4, s8  }
0xe: {  	s5 =	sadd.s32 s0, s31;
	s6 =	sadd.s32 s2, s8;
	s14 =	smax.u32 s14, $0x1  }
0xf: {  	s0 =	simm.s32 $0x5;
	s2 =	simm.s32 $0x180;
	s7 =	sadd.s32 $0x800, s4  }
0x10: {  	s8 =	sadd.s32 $0x20000, s4;
	s9 =	sadd.s32 $0x20800, s4;
	s10 =	sadd.s32 $0x40000, s4  }
0x11: {  	s11 =	sadd.s32 $0x40800, s4;
	s12 =	sadd.s32 $0x60000, s4;
	s13 =	sadd.s32 $0x60800, s4  }
.LBB2_1:
0x12: {  	[tilespmem:s3], [sflag:$0x6] =	stream.linear.gather [hbm4b:s5+s3], $0x400, $0x38;
	[tilespmem:$0x1C400] =	vst v63  }
0x13: {  	_ =	swait.ge [sflag:s15], $0x400  }
0x14: {  	[sflag:s15] =	ssyncset.done $0x0  }
0x15: {  	s24 =	simm.s32 $0x400;
	[sflag:s15] =	ssyncadd.s32 $0xFFFFFC00  }
0x16: {  	[tilespmem:s24], [sflag:$0x4] =	stream.linear.gather [hbm4b:s6+s3], $0x8000, $0x38;
	[tilespmem:$0x1C400] =	vst v63  }
0x17: {  	_ = 	snop  }
0x18: {  	[tilespmem:s18], [sflag:$0x1] =	stream.indirect.gather [hbm4b:s1+s17], $0x80, s3, s17, $0xb8;
	[tilespmem:$0x1C400] =	vst v63  }
0x19: {  	s24 =	simm.s32 $0x200  }
0x1a: {  	[tilespmem:s20], [sflag:$0x2] =	stream.indirect.gather [hbm4b:s1+s17], $0x80, s24, s17, $0xb8;
	[tilespmem:$0x1C400] =	vst v63  }
0x1b: {  	_ = 	snop  }
0x1c: {  	[tilespmem:s21], [sflag:$0x3] =	stream.indirect.gather [hbm4b:s1+s17], $0x80, s17, s17, $0xb8;
	[tilespmem:$0x1C400] =	vst v63  }
0x1d: {  	_ =	swait.ge [sflag:s22], $0x8000  }
0x1e: {  	[sflag:s22] =	ssyncset.done $0x0  }
0x1f: {  	[sflag:s22] =	ssyncadd.s32 $0xFFFF8000  }
0x20: {  	_ =	swait.ge [sflag:s23], $0x4000  }
0x21: {  	[sflag:s23] =	ssyncset.done $0x0  }
0x22: {  	s24 =	simm.s32 $0x0;
	[sflag:s23] =	ssyncadd.s32 $0xFFFFC000  }
0x23: {  	v0 =	vld [tilespmem:s24+$0x8470]  }
0x24: {  	v1 =	vld [tilespmem:s24+$0x470]  }
0x25: {  	v2 =	vld [tilespmem:s24+$0x8400]  }
0x26: {  	v3 =	vld [tilespmem:s24+$0x400]  }
0x27: {  	v4 =	vld [tilespmem:s24+$0x8410]  }
0x28: {  	v5 =	vld [tilespmem:s24+$0x410]  }
0x29: {  	v6 =	vld [tilespmem:s24+$0x8420]  }
0x2a: {  	v7 =	vld [tilespmem:s24+$0x8430]  }
0x2b: {  	v0 =	vadd.f32 v1, v0;
	v1 =	vld [tilespmem:s24+$0x420]  }
0x2c: {  	v8 =	vld [tilespmem:s24+$0x430]  }
0x2d: {  	v9 =	vld [tilespmem:s24+$0x440];
	v2 =	vadd.f32 v3, v2  }
0x2e: {  	[tilespmem:s24+$0x14470] =	vst v0;
	v0 =	vadd.f32 v5, v4;
	v5 =	vld [tilespmem:s24+$0x8440]  }
0x2f: {  	v3 =	vld [tilespmem:s24+$0x450];
	[tilespmem:s24+$0x14400] =	vst v2  }
0x30: {  	v2 =	vld [tilespmem:s24+$0x8450];
	[tilespmem:s24+$0x14410] =	vst v0;
	v0 =	vadd.f32 v1, v6  }
0x31: {  	v4 =	vld [tilespmem:s24+$0x460];
	v6 =	vadd.f32 v8, v7  }
0x32: {  	s28 =	simm.s32 $0x80;
	[tilespmem:s24+$0x14420] =	vst v0;
	v0 =	vld [tilespmem:s24+$0x8460]  }
0x33: {  	s31 =	simm.s32 $0x400;
	v5 =	vadd.f32 v9, v5;
	v1 =	vld [tilespmem:s28+$0x8470];
	[tilespmem:s24+$0x14430] =	vst v6  }
.LBB2_2:
0x34: {  	p0 =	sne.s32 s31, $0xFE00;
	v6 =	vld [tilespmem:s28+$0x470]  }
0x35: {  	v7 =	vld [tilespmem:s28+$0x8400];
	[tilespmem:s24+$0x14440] =	vst v5;
	v2 =	vadd.f32 v3, v2  }
0x36: {  	v3 =	vld [tilespmem:s28+$0x400]  }
0x37: {  	v5 =	vld [tilespmem:s28+$0x8410];
	[tilespmem:s24+$0x14450] =	vst v2;
	v0 =	vadd.f32 v4, v0  }
0x38: {  	v2 =	vld [tilespmem:s28+$0x410]  }
0x39: {  	v4 =	vld [tilespmem:s28+$0x8420];
	v1 =	vadd.f32 v6, v1;
	[tilespmem:s24+$0x14460] =	vst v0;
	s24 =	smov.u32 s28  }
0x3a: {  	v0 =	vld [tilespmem:s24+$0x420]  }
0x3b: {  	v3 =	vadd.f32 v3, v7;
	v6 =	vld [tilespmem:s24+$0x8430];
	[tilespmem:s24+$0x14470] =	vst v1  }
0x3c: {  	v1 =	vld [tilespmem:s24+$0x430]  }
0x3d: {  	[tilespmem:s24+$0x14400] =	vst v3;
	v2 =	vadd.f32 v2, v5;
	v5 =	vld [tilespmem:s24+$0x8440]  }
0x3e: {  	v7 =	vld [tilespmem:s24+$0x440]  }
.Ltmp0:
0x3f: {  	[tilespmem:s24+$0x14410] =	vst v2;
	v0 =	vadd.f32 v0, v4;
	v2 =	vld [tilespmem:s24+$0x8450];
	(pc) =	sbr.rel @p0 .LBB2_2-.Ltmp0, $4  }
0x40: {  	v3 =	vld [tilespmem:s24+$0x450]  }
0x41: {  	[tilespmem:s24+$0x14420] =	vst v0;
	v6 =	vadd.f32 v1, v6;
	v0 =	vld [tilespmem:s24+$0x8460]  }
0x42: {  	s28 =	sshra.s32 s31, $0x2;
	v4 =	vld [tilespmem:s24+$0x460]  }
0x43: {  	s31 =	sadd.s32 $0x200, s31;
	v1 =	vld [tilespmem:s28+$0x8470];
	[tilespmem:s24+$0x14430] =	vst v6;
	v5 =	vadd.f32 v7, v5  }
0x44: {  	v6 =	vld [tilespmem:s28+$0x470]  }
0x45: {  	v7 =	vld [tilespmem:s28+$0x8400];
	[tilespmem:s24+$0x14440] =	vst v5;
	v2 =	vadd.f32 v3, v2  }
0x46: {  	v3 =	vld [tilespmem:s28+$0x400]  }
0x47: {  	v5 =	vld [tilespmem:s28+$0x8410];
	[tilespmem:s24+$0x14450] =	vst v2;
	v0 =	vadd.f32 v4, v0  }
0x48: {  	v2 =	vld [tilespmem:s28+$0x410]  }
0x49: {  	v4 =	vld [tilespmem:s28+$0x8420];
	[tilespmem:s24+$0x14460] =	vst v0  }
0x4a: {  	v0 =	vadd.f32 v6, v1;
	v1 =	vld [tilespmem:s28+$0x420]  }
0x4b: {  	v6 =	vld [tilespmem:s28+$0x8430]  }
0x4c: {  	v3 =	vadd.f32 v3, v7;
	[tilespmem:s28+$0x14470] =	vst v0;
	v0 =	vld [tilespmem:s28+$0x430]  }
0x4d: {  	v7 =	vld [tilespmem:s28+$0x460]  }
0x4e: {  	[tilespmem:s28+$0x14400] =	vst v3;
	v2 =	vadd.f32 v2, v5;
	v3 =	vld [tilespmem:s28+$0x8440]  }
0x4f: {  	v5 =	vld [tilespmem:s28+$0x440]  }
0x50: {  	[tilespmem:s28+$0x14410] =	vst v2;
	v1 =	vadd.f32 v1, v4;
	v2 =	vld [tilespmem:s28+$0x8450]  }
0x51: {  	v4 =	vld [tilespmem:s28+$0x450]  }
0x52: {  	[tilespmem:s28+$0x14420] =	vst v1;
	v1 =	vld [tilespmem:s28+$0x8460];
	_ =	sdelay $0x1  }
0x53: {  	v0 =	vadd.f32 v0, v6  }
0x54: {  	v3 =	vadd.f32 v5, v3  }
0x55: {  	[tilespmem:s28+$0x14430] =	vst v0;
	v0 =	vadd.f32 v4, v2  }
0x56: {  	[tilespmem:s28+$0x14440] =	vst v3;
	v1 =	vadd.f32 v7, v1  }
0x57: {  	[tilespmem:s28+$0x14450] =	vst v0  }
0x58: {  	s24 =	simm.s32 $0x280;
	[tilespmem:s28+$0x14460] =	vst v1  }
0x59: {  	[tilespmem:s18], [sflag:$0x1] =	stream.indirect.gather [hbm4b:s1+s17], $0x80, s24, s17, $0xb8;
	[tilespmem:$0x1C400] =	vst v63  }
0x5a: {  	s24 =	simm.s32 $0x0  }
0x5b: {  	[hbm4b:s4+s24] =	stream.linear.scatter [tilespmem:s25], [sflag:$0x4], $0x4000, $0x38;
	[tilespmem:$0x1C400] =	vst v63  }
0x5c: {  	_ =	swait.ge [sflag:s26], $0x4000  }
0x5d: {  	[sflag:s26] =	ssyncset.done $0x0  }
0x5e: {  	s24 =	simm.s32 $0x0;
	[sflag:s26] =	ssyncadd.s32 $0xFFFFC000  }
0x5f: {  	v0 =	vld [tilespmem:s24+$0xC470]  }
0x60: {  	v1 =	vld [tilespmem:s24+$0x4470]  }
0x61: {  	v2 =	vld [tilespmem:s24+$0xC400]  }
0x62: {  	v3 =	vld [tilespmem:s24+$0x4400]  }
0x63: {  	v4 =	vld [tilespmem:s24+$0xC410]  }
0x64: {  	v5 =	vld [tilespmem:s24+$0x4410]  }
0x65: {  	v6 =	vld [tilespmem:s24+$0xC420]  }
0x66: {  	v7 =	vld [tilespmem:s24+$0xC430]  }
0x67: {  	v0 =	vadd.f32 v1, v0;
	v1 =	vld [tilespmem:s24+$0x4420]  }
0x68: {  	v8 =	vld [tilespmem:s24+$0x4430]  }
0x69: {  	v9 =	vld [tilespmem:s24+$0x4440];
	v2 =	vadd.f32 v3, v2  }
0x6a: {  	[tilespmem:s24+$0x18470] =	vst v0;
	v0 =	vadd.f32 v5, v4;
	v5 =	vld [tilespmem:s24+$0xC440]  }
0x6b: {  	v3 =	vld [tilespmem:s24+$0x4450];
	[tilespmem:s24+$0x18400] =	vst v2  }
0x6c: {  	v2 =	vld [tilespmem:s24+$0xC450];
	[tilespmem:s24+$0x18410] =	vst v0;
	v0 =	vadd.f32 v1, v6  }
0x6d: {  	v4 =	vld [tilespmem:s24+$0x4460];
	v6 =	vadd.f32 v8, v7  }
0x6e: {  	s28 =	simm.s32 $0x80;
	[tilespmem:s24+$0x18420] =	vst v0;
	v0 =	vld [tilespmem:s24+$0xC460]  }
0x6f: {  	s31 =	simm.s32 $0x400;
	v5 =	vadd.f32 v9, v5;
	v1 =	vld [tilespmem:s28+$0xC470];
	[tilespmem:s24+$0x18430] =	vst v6  }
.LBB2_4:
0x70: {  	p0 =	sne.s32 s31, $0xFE00;
	v6 =	vld [tilespmem:s28+$0x4470]  }
0x71: {  	v7 =	vld [tilespmem:s28+$0xC400];
	[tilespmem:s24+$0x18440] =	vst v5;
	v2 =	vadd.f32 v3, v2  }
0x72: {  	v3 =	vld [tilespmem:s28+$0x4400]  }
0x73: {  	v5 =	vld [tilespmem:s28+$0xC410];
	[tilespmem:s24+$0x18450] =	vst v2;
	v0 =	vadd.f32 v4, v0  }
0x74: {  	v2 =	vld [tilespmem:s28+$0x4410]  }
0x75: {  	v4 =	vld [tilespmem:s28+$0xC420];
	v1 =	vadd.f32 v6, v1;
	[tilespmem:s24+$0x18460] =	vst v0;
	s24 =	smov.u32 s28  }
0x76: {  	v0 =	vld [tilespmem:s24+$0x4420]  }
0x77: {  	v3 =	vadd.f32 v3, v7;
	v6 =	vld [tilespmem:s24+$0xC430];
	[tilespmem:s24+$0x18470] =	vst v1  }
0x78: {  	v1 =	vld [tilespmem:s24+$0x4430]  }
0x79: {  	[tilespmem:s24+$0x18400] =	vst v3;
	v2 =	vadd.f32 v2, v5;
	v5 =	vld [tilespmem:s24+$0xC440]  }
0x7a: {  	v7 =	vld [tilespmem:s24+$0x4440]  }
.Ltmp1:
0x7b: {  	[tilespmem:s24+$0x18410] =	vst v2;
	v0 =	vadd.f32 v0, v4;
	v2 =	vld [tilespmem:s24+$0xC450];
	(pc) =	sbr.rel @p0 .LBB2_4-.Ltmp1, $4  }
0x7c: {  	v3 =	vld [tilespmem:s24+$0x4450]  }
0x7d: {  	[tilespmem:s24+$0x18420] =	vst v0;
	v6 =	vadd.f32 v1, v6;
	v0 =	vld [tilespmem:s24+$0xC460]  }
0x7e: {  	s28 =	sshra.s32 s31, $0x2;
	v4 =	vld [tilespmem:s24+$0x4460]  }
0x7f: {  	s31 =	sadd.s32 $0x200, s31;
	v1 =	vld [tilespmem:s28+$0xC470];
	[tilespmem:s24+$0x18430] =	vst v6;
	v5 =	vadd.f32 v7, v5  }
0x80: {  	v6 =	vld [tilespmem:s28+$0x4470]  }
0x81: {  	v7 =	vld [tilespmem:s28+$0xC400];
	[tilespmem:s24+$0x18440] =	vst v5;
	v2 =	vadd.f32 v3, v2  }
0x82: {  	v3 =	vld [tilespmem:s28+$0x4400]  }
0x83: {  	v5 =	vld [tilespmem:s28+$0xC410];
	[tilespmem:s24+$0x18450] =	vst v2;
	v0 =	vadd.f32 v4, v0  }
0x84: {  	v2 =	vld [tilespmem:s28+$0x4410]  }
0x85: {  	v4 =	vld [tilespmem:s28+$0xC420];
	[tilespmem:s24+$0x18460] =	vst v0  }
0x86: {  	v0 =	vadd.f32 v6, v1;
	v1 =	vld [tilespmem:s28+$0x4420]  }
0x87: {  	v6 =	vld [tilespmem:s28+$0xC430]  }
0x88: {  	v3 =	vadd.f32 v3, v7;
	[tilespmem:s28+$0x18470] =	vst v0;
	v0 =	vld [tilespmem:s28+$0x4430]  }
0x89: {  	v7 =	vld [tilespmem:s28+$0x4460]  }
0x8a: {  	[tilespmem:s28+$0x18400] =	vst v3;
	v2 =	vadd.f32 v2, v5;
	v3 =	vld [tilespmem:s28+$0xC440]  }
0x8b: {  	v5 =	vld [tilespmem:s28+$0x4440]  }
0x8c: {  	[tilespmem:s28+$0x18410] =	vst v2;
	v1 =	vadd.f32 v1, v4;
	v2 =	vld [tilespmem:s28+$0xC450]  }
0x8d: {  	v4 =	vld [tilespmem:s28+$0x4450]  }
0x8e: {  	[tilespmem:s28+$0x18420] =	vst v1;
	v1 =	vld [tilespmem:s28+$0xC460];
	_ =	sdelay $0x1  }
0x8f: {  	v0 =	vadd.f32 v0, v6  }
0x90: {  	v3 =	vadd.f32 v5, v3  }
0x91: {  	[tilespmem:s28+$0x18430] =	vst v0;
	v0 =	vadd.f32 v4, v2  }
0x92: {  	[tilespmem:s28+$0x18440] =	vst v3;
	v1 =	vadd.f32 v7, v1  }
0x93: {  	[tilespmem:s28+$0x18450] =	vst v0  }
0x94: {  	s24 =	simm.s32 $0x100;
	[tilespmem:s28+$0x18460] =	vst v1  }
0x95: {  	[tilespmem:s20], [sflag:$0x2] =	stream.indirect.gather [hbm4b:s1+s17], $0x80, s24, s17, $0xb8;
	[tilespmem:$0x1C400] =	vst v63  }
0x96: {  	s24 =	simm.s32 $0x0  }
0x97: {  	[hbm4b:s7+s24] =	stream.linear.scatter [tilespmem:s29], [sflag:$0x5], $0x4000, $0x38;
	[tilespmem:$0x1C400] =	vst v63  }
0x98: {  	_ =	swait.ge [sflag:s30], $0x4000  }
0x99: {  	[sflag:s30] =	ssyncset.done $0x0  }
0x9a: {  	[sflag:s30] =	ssyncadd.s32 $0xFFFFC000  }
0x9b: {  	_ =	swait.ge [sflag:s22], $0x4000  }
0x9c: {  	[sflag:s22] =	ssyncset.done $0x0  }
0x9d: {  	s24 =	simm.s32 $0x0;
	[sflag:s22] =	ssyncadd.s32 $0xFFFFC000  }
0x9e: {  	v0 =	vld [tilespmem:s24+$0x10470]  }
0x9f: {  	v1 =	vld [tilespmem:s24+$0x470]  }
0xa0: {  	v2 =	vld [tilespmem:s24+$0x10400]  }
0xa1: {  	v3 =	vld [tilespmem:s24+$0x400]  }
0xa2: {  	v4 =	vld [tilespmem:s24+$0x10410]  }
0xa3: {  	v5 =	vld [tilespmem:s24+$0x410]  }
0xa4: {  	v6 =	vld [tilespmem:s24+$0x10420]  }
0xa5: {  	v7 =	vld [tilespmem:s24+$0x10430]  }
0xa6: {  	v0 =	vadd.f32 v1, v0;
	v1 =	vld [tilespmem:s24+$0x420]  }
0xa7: {  	v8 =	vld [tilespmem:s24+$0x430]  }
0xa8: {  	v9 =	vld [tilespmem:s24+$0x440];
	v2 =	vadd.f32 v3, v2  }
0xa9: {  	[tilespmem:s24+$0x14470] =	vst v0;
	v0 =	vadd.f32 v5, v4;
	v5 =	vld [tilespmem:s24+$0x10440]  }
0xaa: {  	v3 =	vld [tilespmem:s24+$0x450];
	[tilespmem:s24+$0x14400] =	vst v2  }
0xab: {  	v2 =	vld [tilespmem:s24+$0x10450];
	[tilespmem:s24+$0x14410] =	vst v0;
	v0 =	vadd.f32 v1, v6  }
0xac: {  	v4 =	vld [tilespmem:s24+$0x460];
	v6 =	vadd.f32 v8, v7  }
0xad: {  	s28 =	simm.s32 $0x80;
	[tilespmem:s24+$0x14420] =	vst v0;
	v0 =	vld [tilespmem:s24+$0x10460]  }
0xae: {  	s31 =	simm.s32 $0x400;
	v5 =	vadd.f32 v9, v5;
	v1 =	vld [tilespmem:s28+$0x10470];
	[tilespmem:s24+$0x14430] =	vst v6  }
.LBB2_6:
0xaf: {  	p0 =	sne.s32 s31, $0xFE00;
	v6 =	vld [tilespmem:s28+$0x470]  }
0xb0: {  	v7 =	vld [tilespmem:s28+$0x10400];
	[tilespmem:s24+$0x14440] =	vst v5;
	v2 =	vadd.f32 v3, v2  }
0xb1: {  	v3 =	vld [tilespmem:s28+$0x400]  }
0xb2: {  	v5 =	vld [tilespmem:s28+$0x10410];
	[tilespmem:s24+$0x14450] =	vst v2;
	v0 =	vadd.f32 v4, v0  }
0xb3: {  	v2 =	vld [tilespmem:s28+$0x410]  }
0xb4: {  	v4 =	vld [tilespmem:s28+$0x10420];
	v1 =	vadd.f32 v6, v1;
	[tilespmem:s24+$0x14460] =	vst v0;
	s24 =	smov.u32 s28  }
0xb5: {  	v0 =	vld [tilespmem:s24+$0x420]  }
0xb6: {  	v3 =	vadd.f32 v3, v7;
	v6 =	vld [tilespmem:s24+$0x10430];
	[tilespmem:s24+$0x14470] =	vst v1  }
0xb7: {  	v1 =	vld [tilespmem:s24+$0x430]  }
0xb8: {  	[tilespmem:s24+$0x14400] =	vst v3;
	v2 =	vadd.f32 v2, v5;
	v5 =	vld [tilespmem:s24+$0x10440]  }
0xb9: {  	v7 =	vld [tilespmem:s24+$0x440]  }
.Ltmp2:
0xba: {  	[tilespmem:s24+$0x14410] =	vst v2;
	v0 =	vadd.f32 v0, v4;
	v2 =	vld [tilespmem:s24+$0x10450];
	(pc) =	sbr.rel @p0 .LBB2_6-.Ltmp2, $4  }
0xbb: {  	v3 =	vld [tilespmem:s24+$0x450]  }
0xbc: {  	[tilespmem:s24+$0x14420] =	vst v0;
	v6 =	vadd.f32 v1, v6;
	v0 =	vld [tilespmem:s24+$0x10460]  }
0xbd: {  	s28 =	sshra.s32 s31, $0x2;
	v4 =	vld [tilespmem:s24+$0x460]  }
0xbe: {  	s31 =	sadd.s32 $0x200, s31;
	v1 =	vld [tilespmem:s28+$0x10470];
	[tilespmem:s24+$0x14430] =	vst v6;
	v5 =	vadd.f32 v7, v5  }
0xbf: {  	v6 =	vld [tilespmem:s28+$0x470]  }
0xc0: {  	v7 =	vld [tilespmem:s28+$0x10400];
	[tilespmem:s24+$0x14440] =	vst v5;
	v2 =	vadd.f32 v3, v2  }
0xc1: {  	v3 =	vld [tilespmem:s28+$0x400]  }
0xc2: {  	v5 =	vld [tilespmem:s28+$0x10410];
	[tilespmem:s24+$0x14450] =	vst v2;
	v0 =	vadd.f32 v4, v0  }
0xc3: {  	v2 =	vld [tilespmem:s28+$0x410]  }
0xc4: {  	v4 =	vld [tilespmem:s28+$0x10420];
	[tilespmem:s24+$0x14460] =	vst v0  }
0xc5: {  	v0 =	vadd.f32 v6, v1;
	v1 =	vld [tilespmem:s28+$0x420]  }
0xc6: {  	v6 =	vld [tilespmem:s28+$0x10430]  }
0xc7: {  	v3 =	vadd.f32 v3, v7;
	[tilespmem:s28+$0x14470] =	vst v0;
	v0 =	vld [tilespmem:s28+$0x430]  }
0xc8: {  	v7 =	vld [tilespmem:s28+$0x460]  }
0xc9: {  	[tilespmem:s28+$0x14400] =	vst v3;
	v2 =	vadd.f32 v2, v5;
	v3 =	vld [tilespmem:s28+$0x10440]  }
0xca: {  	v5 =	vld [tilespmem:s28+$0x440]  }
0xcb: {  	[tilespmem:s28+$0x14410] =	vst v2;
	v1 =	vadd.f32 v1, v4;
	v2 =	vld [tilespmem:s28+$0x10450]  }
0xcc: {  	v4 =	vld [tilespmem:s28+$0x450]  }
0xcd: {  	[tilespmem:s28+$0x14420] =	vst v1;
	v1 =	vld [tilespmem:s28+$0x10460];
	_ =	sdelay $0x1  }
0xce: {  	v0 =	vadd.f32 v0, v6  }
0xcf: {  	v3 =	vadd.f32 v5, v3  }
0xd0: {  	[tilespmem:s28+$0x14430] =	vst v0;
	v0 =	vadd.f32 v4, v2  }
0xd1: {  	[tilespmem:s28+$0x14440] =	vst v3;
	v1 =	vadd.f32 v7, v1  }
0xd2: {  	[tilespmem:s28+$0x14450] =	vst v0  }
0xd3: {  	s24 =	simm.s32 $0x300;
	[tilespmem:s28+$0x14460] =	vst v1  }
0xd4: {  	[tilespmem:s21], [sflag:$0x3] =	stream.indirect.gather [hbm4b:s1+s17], $0x80, s24, s17, $0xb8;
	[tilespmem:$0x1C400] =	vst v63  }
0xd5: {  	s24 =	simm.s32 $0x0  }
0xd6: {  	[hbm4b:s8+s24] =	stream.linear.scatter [tilespmem:s25], [sflag:$0x4], $0x4000, $0x38;
	[tilespmem:$0x1C400] =	vst v63  }
0xd7: {  	_ =	swait.ge [sflag:s23], $0x4000  }
0xd8: {  	[sflag:s23] =	ssyncset.done $0x0  }
0xd9: {  	[sflag:s23] =	ssyncadd.s32 $0xFFFFC000  }
0xda: {  	_ =	swait.ge [sflag:s0], $0x4000  }
0xdb: {  	[sflag:s0] =	ssyncset.done $0x0  }
0xdc: {  	s24 =	simm.s32 $0x0;
	[sflag:s0] =	ssyncadd.s32 $0xFFFFC000  }
0xdd: {  	v0 =	vld [tilespmem:s24+$0x8470]  }
0xde: {  	v1 =	vld [tilespmem:s24+$0x4470]  }
0xdf: {  	v2 =	vld [tilespmem:s24+$0x8400]  }
0xe0: {  	v3 =	vld [tilespmem:s24+$0x4400]  }
0xe1: {  	v4 =	vld [tilespmem:s24+$0x8410]  }
0xe2: {  	v5 =	vld [tilespmem:s24+$0x4410]  }
0xe3: {  	v6 =	vld [tilespmem:s24+$0x8420]  }
0xe4: {  	v7 =	vld [tilespmem:s24+$0x8430]  }
0xe5: {  	v0 =	vadd.f32 v1, v0;
	v1 =	vld [tilespmem:s24+$0x4420]  }
0xe6: {  	v8 =	vld [tilespmem:s24+$0x4430]  }
0xe7: {  	v9 =	vld [tilespmem:s24+$0x4440];
	v2 =	vadd.f32 v3, v2  }
0xe8: {  	[tilespmem:s24+$0x18470] =	vst v0;
	v0 =	vadd.f32 v5, v4;
	v5 =	vld [tilespmem:s24+$0x8440]  }
0xe9: {  	v3 =	vld [tilespmem:s24+$0x4450];
	[tilespmem:s24+$0x18400] =	vst v2  }
0xea: {  	v2 =	vld [tilespmem:s24+$0x8450];
	[tilespmem:s24+$0x18410] =	vst v0;
	v0 =	vadd.f32 v1, v6  }
0xeb: {  	v4 =	vld [tilespmem:s24+$0x4460];
	v6 =	vadd.f32 v8, v7  }
0xec: {  	s28 =	simm.s32 $0x80;
	[tilespmem:s24+$0x18420] =	vst v0;
	v0 =	vld [tilespmem:s24+$0x8460]  }
0xed: {  	s31 =	simm.s32 $0x400;
	v5 =	vadd.f32 v9, v5;
	v1 =	vld [tilespmem:s28+$0x8470];
	[tilespmem:s24+$0x18430] =	vst v6  }
.LBB2_8:
0xee: {  	p0 =	sne.s32 s31, $0xFE00;
	v6 =	vld [tilespmem:s28+$0x4470]  }
0xef: {  	v7 =	vld [tilespmem:s28+$0x8400];
	[tilespmem:s24+$0x18440] =	vst v5;
	v2 =	vadd.f32 v3, v2  }
0xf0: {  	v3 =	vld [tilespmem:s28+$0x4400]  }
0xf1: {  	v5 =	vld [tilespmem:s28+$0x8410];
	[tilespmem:s24+$0x18450] =	vst v2;
	v0 =	vadd.f32 v4, v0  }
0xf2: {  	v2 =	vld [tilespmem:s28+$0x4410]  }
0xf3: {  	v4 =	vld [tilespmem:s28+$0x8420];
	v1 =	vadd.f32 v6, v1;
	[tilespmem:s24+$0x18460] =	vst v0;
	s24 =	smov.u32 s28  }
0xf4: {  	v0 =	vld [tilespmem:s24+$0x4420]  }
0xf5: {  	v3 =	vadd.f32 v3, v7;
	v6 =	vld [tilespmem:s24+$0x8430];
	[tilespmem:s24+$0x18470] =	vst v1  }
0xf6: {  	v1 =	vld [tilespmem:s24+$0x4430]  }
0xf7: {  	[tilespmem:s24+$0x18400] =	vst v3;
	v2 =	vadd.f32 v2, v5;
	v5 =	vld [tilespmem:s24+$0x8440]  }
0xf8: {  	v7 =	vld [tilespmem:s24+$0x4440]  }
.Ltmp3:
0xf9: {  	[tilespmem:s24+$0x18410] =	vst v2;
	v0 =	vadd.f32 v0, v4;
	v2 =	vld [tilespmem:s24+$0x8450];
	(pc) =	sbr.rel @p0 .LBB2_8-.Ltmp3, $4  }
0xfa: {  	v3 =	vld [tilespmem:s24+$0x4450]  }
0xfb: {  	[tilespmem:s24+$0x18420] =	vst v0;
	v6 =	vadd.f32 v1, v6;
	v0 =	vld [tilespmem:s24+$0x8460]  }
0xfc: {  	s28 =	sshra.s32 s31, $0x2;
	v4 =	vld [tilespmem:s24+$0x4460]  }
0xfd: {  	s31 =	sadd.s32 $0x200, s31;
	v1 =	vld [tilespmem:s28+$0x8470];
	[tilespmem:s24+$0x18430] =	vst v6;
	v5 =	vadd.f32 v7, v5  }
0xfe: {  	v6 =	vld [tilespmem:s28+$0x4470]  }
0xff: {  	v7 =	vld [tilespmem:s28+$0x8400];
	[tilespmem:s24+$0x18440] =	vst v5;
	v2 =	vadd.f32 v3, v2  }
0x100: {  	v3 =	vld [tilespmem:s28+$0x4400]  }
0x101: {  	v5 =	vld [tilespmem:s28+$0x8410];
	[tilespmem:s24+$0x18450] =	vst v2;
	v0 =	vadd.f32 v4, v0  }
0x102: {  	v2 =	vld [tilespmem:s28+$0x4410]  }
0x103: {  	v4 =	vld [tilespmem:s28+$0x8420];
	[tilespmem:s24+$0x18460] =	vst v0  }
0x104: {  	v0 =	vadd.f32 v6, v1;
	v1 =	vld [tilespmem:s28+$0x4420]  }
0x105: {  	v6 =	vld [tilespmem:s28+$0x8430]  }
0x106: {  	v3 =	vadd.f32 v3, v7;
	[tilespmem:s28+$0x18470] =	vst v0;
	v0 =	vld [tilespmem:s28+$0x4430]  }
0x107: {  	v7 =	vld [tilespmem:s28+$0x4460]  }
0x108: {  	[tilespmem:s28+$0x18400] =	vst v3;
	v2 =	vadd.f32 v2, v5;
	v3 =	vld [tilespmem:s28+$0x8440]  }
0x109: {  	v5 =	vld [tilespmem:s28+$0x4440]  }
0x10a: {  	[tilespmem:s28+$0x18410] =	vst v2;
	v1 =	vadd.f32 v1, v4;
	v2 =	vld [tilespmem:s28+$0x8450]  }
0x10b: {  	v4 =	vld [tilespmem:s28+$0x4450]  }
0x10c: {  	[tilespmem:s28+$0x18420] =	vst v1;
	v1 =	vld [tilespmem:s28+$0x8460];
	_ =	sdelay $0x1  }
0x10d: {  	v0 =	vadd.f32 v0, v6  }
0x10e: {  	v3 =	vadd.f32 v5, v3  }
0x10f: {  	[tilespmem:s28+$0x18430] =	vst v0;
	v0 =	vadd.f32 v4, v2  }
0x110: {  	[tilespmem:s28+$0x18440] =	vst v3;
	v1 =	vadd.f32 v7, v1  }
0x111: {  	[tilespmem:s28+$0x18450] =	vst v0  }
0x112: {  	[tilespmem:s28+$0x18460] =	vst v1  }
0x113: {  	[tilespmem:s18], [sflag:$0x1] =	stream.indirect.gather [hbm4b:s1+s17], $0x80, s2, s17, $0xb8;
	[tilespmem:$0x1C400] =	vst v63  }
0x114: {  	s24 =	simm.s32 $0x0  }
0x115: {  	[hbm4b:s9+s24] =	stream.linear.scatter [tilespmem:s29], [sflag:$0x5], $0x4000, $0x38;
	[tilespmem:$0x1C400] =	vst v63  }
0x116: {  	_ =	swait.ge [sflag:s26], $0x4000  }
0x117: {  	[sflag:s26] =	ssyncset.done $0x0  }
0x118: {  	[sflag:s26] =	ssyncadd.s32 $0xFFFFC000  }
0x119: {  	_ =	swait.ge [sflag:s22], $0x4000  }
0x11a: {  	[sflag:s22] =	ssyncset.done $0x0  }
0x11b: {  	s24 =	simm.s32 $0x0;
	[sflag:s22] =	ssyncadd.s32 $0xFFFFC000  }
0x11c: {  	v0 =	vld [tilespmem:s24+$0xC470]  }
0x11d: {  	v1 =	vld [tilespmem:s24+$0x470]  }
0x11e: {  	v2 =	vld [tilespmem:s24+$0xC400]  }
0x11f: {  	v3 =	vld [tilespmem:s24+$0x400]  }
0x120: {  	v4 =	vld [tilespmem:s24+$0xC410]  }
0x121: {  	v5 =	vld [tilespmem:s24+$0x410]  }
0x122: {  	v6 =	vld [tilespmem:s24+$0xC420]  }
0x123: {  	v7 =	vld [tilespmem:s24+$0xC430]  }
0x124: {  	v0 =	vadd.f32 v1, v0;
	v1 =	vld [tilespmem:s24+$0x420]  }
0x125: {  	v8 =	vld [tilespmem:s24+$0x430]  }
0x126: {  	v9 =	vld [tilespmem:s24+$0x440];
	v2 =	vadd.f32 v3, v2  }
0x127: {  	[tilespmem:s24+$0x14470] =	vst v0;
	v0 =	vadd.f32 v5, v4;
	v5 =	vld [tilespmem:s24+$0xC440]  }
0x128: {  	v3 =	vld [tilespmem:s24+$0x450];
	[tilespmem:s24+$0x14400] =	vst v2  }
0x129: {  	v2 =	vld [tilespmem:s24+$0xC450];
	[tilespmem:s24+$0x14410] =	vst v0;
	v0 =	vadd.f32 v1, v6  }
0x12a: {  	v4 =	vld [tilespmem:s24+$0x460];
	v6 =	vadd.f32 v8, v7  }
0x12b: {  	s28 =	simm.s32 $0x80;
	[tilespmem:s24+$0x14420] =	vst v0;
	v0 =	vld [tilespmem:s24+$0xC460]  }
0x12c: {  	s31 =	simm.s32 $0x400;
	v5 =	vadd.f32 v9, v5;
	v1 =	vld [tilespmem:s28+$0xC470];
	[tilespmem:s24+$0x14430] =	vst v6  }
.LBB2_10:
0x12d: {  	p0 =	sne.s32 s31, $0xFE00;
	v6 =	vld [tilespmem:s28+$0x470]  }
0x12e: {  	v7 =	vld [tilespmem:s28+$0xC400];
	[tilespmem:s24+$0x14440] =	vst v5;
	v2 =	vadd.f32 v3, v2  }
0x12f: {  	v3 =	vld [tilespmem:s28+$0x400]  }
0x130: {  	v5 =	vld [tilespmem:s28+$0xC410];
	[tilespmem:s24+$0x14450] =	vst v2;
	v0 =	vadd.f32 v4, v0  }
0x131: {  	v2 =	vld [tilespmem:s28+$0x410]  }
0x132: {  	v4 =	vld [tilespmem:s28+$0xC420];
	v1 =	vadd.f32 v6, v1;
	[tilespmem:s24+$0x14460] =	vst v0;
	s24 =	smov.u32 s28  }
0x133: {  	v0 =	vld [tilespmem:s24+$0x420]  }
0x134: {  	v3 =	vadd.f32 v3, v7;
	v6 =	vld [tilespmem:s24+$0xC430];
	[tilespmem:s24+$0x14470] =	vst v1  }
0x135: {  	v1 =	vld [tilespmem:s24+$0x430]  }
0x136: {  	[tilespmem:s24+$0x14400] =	vst v3;
	v2 =	vadd.f32 v2, v5;
	v5 =	vld [tilespmem:s24+$0xC440]  }
0x137: {  	v7 =	vld [tilespmem:s24+$0x440]  }
.Ltmp4:
0x138: {  	[tilespmem:s24+$0x14410] =	vst v2;
	v0 =	vadd.f32 v0, v4;
	v2 =	vld [tilespmem:s24+$0xC450];
	(pc) =	sbr.rel @p0 .LBB2_10-.Ltmp4, $4  }
0x139: {  	v3 =	vld [tilespmem:s24+$0x450]  }
0x13a: {  	[tilespmem:s24+$0x14420] =	vst v0;
	v6 =	vadd.f32 v1, v6;
	v0 =	vld [tilespmem:s24+$0xC460]  }
0x13b: {  	s28 =	sshra.s32 s31, $0x2;
	v4 =	vld [tilespmem:s24+$0x460]  }
0x13c: {  	s31 =	sadd.s32 $0x200, s31;
	v1 =	vld [tilespmem:s28+$0xC470];
	[tilespmem:s24+$0x14430] =	vst v6;
	v5 =	vadd.f32 v7, v5  }
0x13d: {  	v6 =	vld [tilespmem:s28+$0x470]  }
0x13e: {  	v7 =	vld [tilespmem:s28+$0xC400];
	[tilespmem:s24+$0x14440] =	vst v5;
	v2 =	vadd.f32 v3, v2  }
0x13f: {  	v3 =	vld [tilespmem:s28+$0x400]  }
0x140: {  	v5 =	vld [tilespmem:s28+$0xC410];
	[tilespmem:s24+$0x14450] =	vst v2;
	v0 =	vadd.f32 v4, v0  }
0x141: {  	v2 =	vld [tilespmem:s28+$0x410]  }
0x142: {  	v4 =	vld [tilespmem:s28+$0xC420];
	[tilespmem:s24+$0x14460] =	vst v0  }
0x143: {  	v0 =	vadd.f32 v6, v1;
	v1 =	vld [tilespmem:s28+$0x420]  }
0x144: {  	v6 =	vld [tilespmem:s28+$0xC430]  }
0x145: {  	v3 =	vadd.f32 v3, v7;
	[tilespmem:s28+$0x14470] =	vst v0;
	v0 =	vld [tilespmem:s28+$0x430]  }
0x146: {  	v7 =	vld [tilespmem:s28+$0x460]  }
0x147: {  	[tilespmem:s28+$0x14400] =	vst v3;
	v2 =	vadd.f32 v2, v5;
	v3 =	vld [tilespmem:s28+$0xC440]  }
0x148: {  	v5 =	vld [tilespmem:s28+$0x440]  }
0x149: {  	[tilespmem:s28+$0x14410] =	vst v2;
	v1 =	vadd.f32 v1, v4;
	v2 =	vld [tilespmem:s28+$0xC450]  }
0x14a: {  	v4 =	vld [tilespmem:s28+$0x450]  }
0x14b: {  	[tilespmem:s28+$0x14420] =	vst v1;
	v1 =	vld [tilespmem:s28+$0xC460];
	_ =	sdelay $0x1  }
0x14c: {  	v0 =	vadd.f32 v0, v6  }
0x14d: {  	v3 =	vadd.f32 v5, v3  }
0x14e: {  	[tilespmem:s28+$0x14430] =	vst v0;
	v0 =	vadd.f32 v4, v2  }
0x14f: {  	[tilespmem:s28+$0x14440] =	vst v3;
	v1 =	vadd.f32 v7, v1  }
0x150: {  	[tilespmem:s28+$0x14450] =	vst v0  }
0x151: {  	[tilespmem:s28+$0x14460] =	vst v1  }
0x152: {  	[tilespmem:s20], [sflag:$0x2] =	stream.indirect.gather [hbm4b:s1+s17], $0x80, s16, s17, $0xb8;
	[tilespmem:$0x1C400] =	vst v63  }
0x153: {  	s24 =	simm.s32 $0x0  }
0x154: {  	[hbm4b:s10+s24] =	stream.linear.scatter [tilespmem:s25], [sflag:$0x4], $0x4000, $0x38;
	[tilespmem:$0x1C400] =	vst v63  }
0x155: {  	_ =	swait.ge [sflag:s30], $0x4000  }
0x156: {  	[sflag:s30] =	ssyncset.done $0x0  }
0x157: {  	[sflag:s30] =	ssyncadd.s32 $0xFFFFC000  }
0x158: {  	_ =	swait.ge [sflag:s0], $0x4000  }
0x159: {  	[sflag:s0] =	ssyncset.done $0x0  }
0x15a: {  	s24 =	simm.s32 $0x0;
	[sflag:s0] =	ssyncadd.s32 $0xFFFFC000  }
0x15b: {  	v0 =	vld [tilespmem:s24+$0x10470]  }
0x15c: {  	v1 =	vld [tilespmem:s24+$0x4470]  }
0x15d: {  	v2 =	vld [tilespmem:s24+$0x10400]  }
0x15e: {  	v3 =	vld [tilespmem:s24+$0x4400]  }
0x15f: {  	v4 =	vld [tilespmem:s24+$0x10410]  }
0x160: {  	v5 =	vld [tilespmem:s24+$0x4410]  }
0x161: {  	v6 =	vld [tilespmem:s24+$0x10420]  }
0x162: {  	v7 =	vld [tilespmem:s24+$0x10430]  }
0x163: {  	v0 =	vadd.f32 v1, v0;
	v1 =	vld [tilespmem:s24+$0x4420]  }
0x164: {  	v8 =	vld [tilespmem:s24+$0x4430]  }
0x165: {  	v9 =	vld [tilespmem:s24+$0x4440];
	v2 =	vadd.f32 v3, v2  }
0x166: {  	[tilespmem:s24+$0x18470] =	vst v0;
	v0 =	vadd.f32 v5, v4;
	v5 =	vld [tilespmem:s24+$0x10440]  }
0x167: {  	v3 =	vld [tilespmem:s24+$0x4450];
	[tilespmem:s24+$0x18400] =	vst v2  }
0x168: {  	v2 =	vld [tilespmem:s24+$0x10450];
	[tilespmem:s24+$0x18410] =	vst v0;
	v0 =	vadd.f32 v1, v6  }
0x169: {  	v4 =	vld [tilespmem:s24+$0x4460];
	v6 =	vadd.f32 v8, v7  }
0x16a: {  	s28 =	simm.s32 $0x80;
	[tilespmem:s24+$0x18420] =	vst v0;
	v0 =	vld [tilespmem:s24+$0x10460]  }
0x16b: {  	s31 =	simm.s32 $0x400;
	v5 =	vadd.f32 v9, v5;
	v1 =	vld [tilespmem:s28+$0x10470];
	[tilespmem:s24+$0x18430] =	vst v6  }
.LBB2_12:
0x16c: {  	p0 =	sne.s32 s31, $0xFE00;
	v6 =	vld [tilespmem:s28+$0x4470]  }
0x16d: {  	v7 =	vld [tilespmem:s28+$0x10400];
	[tilespmem:s24+$0x18440] =	vst v5;
	v2 =	vadd.f32 v3, v2  }
0x16e: {  	v3 =	vld [tilespmem:s28+$0x4400]  }
0x16f: {  	v5 =	vld [tilespmem:s28+$0x10410];
	[tilespmem:s24+$0x18450] =	vst v2;
	v0 =	vadd.f32 v4, v0  }
0x170: {  	v2 =	vld [tilespmem:s28+$0x4410]  }
0x171: {  	v4 =	vld [tilespmem:s28+$0x10420];
	v1 =	vadd.f32 v6, v1;
	[tilespmem:s24+$0x18460] =	vst v0;
	s24 =	smov.u32 s28  }
0x172: {  	v0 =	vld [tilespmem:s24+$0x4420]  }
0x173: {  	v3 =	vadd.f32 v3, v7;
	v6 =	vld [tilespmem:s24+$0x10430];
	[tilespmem:s24+$0x18470] =	vst v1  }
0x174: {  	v1 =	vld [tilespmem:s24+$0x4430]  }
0x175: {  	[tilespmem:s24+$0x18400] =	vst v3;
	v2 =	vadd.f32 v2, v5;
	v5 =	vld [tilespmem:s24+$0x10440]  }
0x176: {  	v7 =	vld [tilespmem:s24+$0x4440]  }
.Ltmp5:
0x177: {  	[tilespmem:s24+$0x18410] =	vst v2;
	v0 =	vadd.f32 v0, v4;
	v2 =	vld [tilespmem:s24+$0x10450];
	(pc) =	sbr.rel @p0 .LBB2_12-.Ltmp5, $4  }
0x178: {  	v3 =	vld [tilespmem:s24+$0x4450]  }
0x179: {  	[tilespmem:s24+$0x18420] =	vst v0;
	v6 =	vadd.f32 v1, v6;
	v0 =	vld [tilespmem:s24+$0x10460]  }
0x17a: {  	s28 =	sshra.s32 s31, $0x2;
	v4 =	vld [tilespmem:s24+$0x4460]  }
0x17b: {  	s31 =	sadd.s32 $0x200, s31;
	v1 =	vld [tilespmem:s28+$0x10470];
	[tilespmem:s24+$0x18430] =	vst v6;
	v5 =	vadd.f32 v7, v5  }
0x17c: {  	v6 =	vld [tilespmem:s28+$0x4470]  }
0x17d: {  	v7 =	vld [tilespmem:s28+$0x10400];
	[tilespmem:s24+$0x18440] =	vst v5;
	v2 =	vadd.f32 v3, v2  }
0x17e: {  	v3 =	vld [tilespmem:s28+$0x4400]  }
0x17f: {  	v5 =	vld [tilespmem:s28+$0x10410];
	[tilespmem:s24+$0x18450] =	vst v2;
	v0 =	vadd.f32 v4, v0  }
0x180: {  	v2 =	vld [tilespmem:s28+$0x4410]  }
0x181: {  	v4 =	vld [tilespmem:s28+$0x10420];
	[tilespmem:s24+$0x18460] =	vst v0  }
0x182: {  	v0 =	vadd.f32 v6, v1;
	v1 =	vld [tilespmem:s28+$0x4420]  }
0x183: {  	v6 =	vld [tilespmem:s28+$0x10430]  }
0x184: {  	v3 =	vadd.f32 v3, v7;
	[tilespmem:s28+$0x18470] =	vst v0;
	v0 =	vld [tilespmem:s28+$0x4430]  }
0x185: {  	v7 =	vld [tilespmem:s28+$0x4460]  }
0x186: {  	[tilespmem:s28+$0x18400] =	vst v3;
	v2 =	vadd.f32 v2, v5;
	v3 =	vld [tilespmem:s28+$0x10440]  }
0x187: {  	v5 =	vld [tilespmem:s28+$0x4440]  }
0x188: {  	[tilespmem:s28+$0x18410] =	vst v2;
	v1 =	vadd.f32 v1, v4;
	v2 =	vld [tilespmem:s28+$0x10450]  }
0x189: {  	v4 =	vld [tilespmem:s28+$0x4450]  }
0x18a: {  	[tilespmem:s28+$0x18420] =	vst v1;
	v1 =	vld [tilespmem:s28+$0x10460];
	_ =	sdelay $0x1  }
0x18b: {  	v0 =	vadd.f32 v0, v6  }
0x18c: {  	v3 =	vadd.f32 v5, v3  }
0x18d: {  	[tilespmem:s28+$0x18430] =	vst v0;
	v0 =	vadd.f32 v4, v2  }
0x18e: {  	[tilespmem:s28+$0x18440] =	vst v3;
	v1 =	vadd.f32 v7, v1  }
0x18f: {  	[tilespmem:s28+$0x18450] =	vst v0  }
0x190: {  	s24 =	simm.s32 $0x0;
	[tilespmem:s28+$0x18460] =	vst v1  }
0x191: {  	[hbm4b:s11+s24] =	stream.linear.scatter [tilespmem:s29], [sflag:$0x5], $0x4000, $0x38;
	[tilespmem:$0x1C400] =	vst v63  }
0x192: {  	_ =	swait.ge [sflag:s23], $0x4000  }
0x193: {  	[sflag:s23] =	ssyncset.done $0x0  }
0x194: {  	[sflag:s23] =	ssyncadd.s32 $0xFFFFC000  }
0x195: {  	_ =	swait.ge [sflag:s22], $0x4000  }
0x196: {  	[sflag:s22] =	ssyncset.done $0x0  }
0x197: {  	s24 =	simm.s32 $0x0;
	[sflag:s22] =	ssyncadd.s32 $0xFFFFC000  }
0x198: {  	v0 =	vld [tilespmem:s24+$0x8470]  }
0x199: {  	v1 =	vld [tilespmem:s24+$0x470]  }
0x19a: {  	v2 =	vld [tilespmem:s24+$0x8400]  }
0x19b: {  	v3 =	vld [tilespmem:s24+$0x400]  }
0x19c: {  	v4 =	vld [tilespmem:s24+$0x8410]  }
0x19d: {  	v5 =	vld [tilespmem:s24+$0x410]  }
0x19e: {  	v6 =	vld [tilespmem:s24+$0x8420]  }
0x19f: {  	v7 =	vld [tilespmem:s24+$0x8430]  }
0x1a0: {  	v0 =	vadd.f32 v1, v0;
	v1 =	vld [tilespmem:s24+$0x420]  }
0x1a1: {  	v8 =	vld [tilespmem:s24+$0x430]  }
0x1a2: {  	v9 =	vld [tilespmem:s24+$0x440];
	v2 =	vadd.f32 v3, v2  }
0x1a3: {  	[tilespmem:s24+$0x14470] =	vst v0;
	v0 =	vadd.f32 v5, v4;
	v5 =	vld [tilespmem:s24+$0x8440]  }
0x1a4: {  	v3 =	vld [tilespmem:s24+$0x450];
	[tilespmem:s24+$0x14400] =	vst v2  }
0x1a5: {  	v2 =	vld [tilespmem:s24+$0x8450];
	[tilespmem:s24+$0x14410] =	vst v0;
	v0 =	vadd.f32 v1, v6  }
0x1a6: {  	v4 =	vld [tilespmem:s24+$0x460];
	v6 =	vadd.f32 v8, v7  }
0x1a7: {  	s28 =	simm.s32 $0x80;
	[tilespmem:s24+$0x14420] =	vst v0;
	v0 =	vld [tilespmem:s24+$0x8460]  }
0x1a8: {  	s31 =	simm.s32 $0x400;
	v5 =	vadd.f32 v9, v5;
	v1 =	vld [tilespmem:s28+$0x8470];
	[tilespmem:s24+$0x14430] =	vst v6  }
.LBB2_14:
0x1a9: {  	p0 =	sne.s32 s31, $0xFE00;
	v6 =	vld [tilespmem:s28+$0x470]  }
0x1aa: {  	v7 =	vld [tilespmem:s28+$0x8400];
	[tilespmem:s24+$0x14440] =	vst v5;
	v2 =	vadd.f32 v3, v2  }
0x1ab: {  	v3 =	vld [tilespmem:s28+$0x400]  }
0x1ac: {  	v5 =	vld [tilespmem:s28+$0x8410];
	[tilespmem:s24+$0x14450] =	vst v2;
	v0 =	vadd.f32 v4, v0  }
0x1ad: {  	v2 =	vld [tilespmem:s28+$0x410]  }
0x1ae: {  	v4 =	vld [tilespmem:s28+$0x8420];
	v1 =	vadd.f32 v6, v1;
	[tilespmem:s24+$0x14460] =	vst v0;
	s24 =	smov.u32 s28  }
0x1af: {  	v0 =	vld [tilespmem:s24+$0x420]  }
0x1b0: {  	v3 =	vadd.f32 v3, v7;
	v6 =	vld [tilespmem:s24+$0x8430];
	[tilespmem:s24+$0x14470] =	vst v1  }
0x1b1: {  	v1 =	vld [tilespmem:s24+$0x430]  }
0x1b2: {  	[tilespmem:s24+$0x14400] =	vst v3;
	v2 =	vadd.f32 v2, v5;
	v5 =	vld [tilespmem:s24+$0x8440]  }
0x1b3: {  	v7 =	vld [tilespmem:s24+$0x440]  }
.Ltmp6:
0x1b4: {  	[tilespmem:s24+$0x14410] =	vst v2;
	v0 =	vadd.f32 v0, v4;
	v2 =	vld [tilespmem:s24+$0x8450];
	(pc) =	sbr.rel @p0 .LBB2_14-.Ltmp6, $4  }
0x1b5: {  	v3 =	vld [tilespmem:s24+$0x450]  }
0x1b6: {  	[tilespmem:s24+$0x14420] =	vst v0;
	v6 =	vadd.f32 v1, v6;
	v0 =	vld [tilespmem:s24+$0x8460]  }
0x1b7: {  	s28 =	sshra.s32 s31, $0x2;
	v4 =	vld [tilespmem:s24+$0x460]  }
0x1b8: {  	s31 =	sadd.s32 $0x200, s31;
	v1 =	vld [tilespmem:s28+$0x8470];
	[tilespmem:s24+$0x14430] =	vst v6;
	v5 =	vadd.f32 v7, v5  }
0x1b9: {  	v6 =	vld [tilespmem:s28+$0x470]  }
0x1ba: {  	v7 =	vld [tilespmem:s28+$0x8400];
	[tilespmem:s24+$0x14440] =	vst v5;
	v2 =	vadd.f32 v3, v2  }
0x1bb: {  	v3 =	vld [tilespmem:s28+$0x400]  }
0x1bc: {  	v5 =	vld [tilespmem:s28+$0x8410];
	[tilespmem:s24+$0x14450] =	vst v2;
	v0 =	vadd.f32 v4, v0  }
0x1bd: {  	v2 =	vld [tilespmem:s28+$0x410]  }
0x1be: {  	v4 =	vld [tilespmem:s28+$0x8420];
	[tilespmem:s24+$0x14460] =	vst v0  }
0x1bf: {  	v0 =	vadd.f32 v6, v1;
	v1 =	vld [tilespmem:s28+$0x420]  }
0x1c0: {  	v6 =	vld [tilespmem:s28+$0x8430]  }
0x1c1: {  	v3 =	vadd.f32 v3, v7;
	[tilespmem:s28+$0x14470] =	vst v0;
	v0 =	vld [tilespmem:s28+$0x430]  }
0x1c2: {  	v7 =	vld [tilespmem:s28+$0x460]  }
0x1c3: {  	[tilespmem:s28+$0x14400] =	vst v3;
	v2 =	vadd.f32 v2, v5;
	v3 =	vld [tilespmem:s28+$0x8440]  }
0x1c4: {  	v5 =	vld [tilespmem:s28+$0x440]  }
0x1c5: {  	[tilespmem:s28+$0x14410] =	vst v2;
	v1 =	vadd.f32 v1, v4;
	v2 =	vld [tilespmem:s28+$0x8450]  }
0x1c6: {  	v4 =	vld [tilespmem:s28+$0x450]  }
0x1c7: {  	[tilespmem:s28+$0x14420] =	vst v1;
	v1 =	vld [tilespmem:s28+$0x8460];
	_ =	sdelay $0x1  }
0x1c8: {  	v0 =	vadd.f32 v0, v6  }
0x1c9: {  	v3 =	vadd.f32 v5, v3  }
0x1ca: {  	[tilespmem:s28+$0x14430] =	vst v0;
	v0 =	vadd.f32 v4, v2  }
0x1cb: {  	[tilespmem:s28+$0x14440] =	vst v3;
	v1 =	vadd.f32 v7, v1  }
0x1cc: {  	[tilespmem:s28+$0x14450] =	vst v0  }
0x1cd: {  	s24 =	simm.s32 $0x0;
	[tilespmem:s28+$0x14460] =	vst v1  }
0x1ce: {  	[hbm4b:s12+s24] =	stream.linear.scatter [tilespmem:s25], [sflag:$0x4], $0x4000, $0x38;
	[tilespmem:$0x1C400] =	vst v63  }
0x1cf: {  	_ =	swait.ge [sflag:s26], $0x4000  }
0x1d0: {  	[sflag:s26] =	ssyncset.done $0x0  }
0x1d1: {  	[sflag:s26] =	ssyncadd.s32 $0xFFFFC000  }
0x1d2: {  	_ =	swait.ge [sflag:s0], $0x4000  }
0x1d3: {  	[sflag:s0] =	ssyncset.done $0x0  }
0x1d4: {  	s24 =	simm.s32 $0x0;
	[sflag:s0] =	ssyncadd.s32 $0xFFFFC000  }
0x1d5: {  	v0 =	vld [tilespmem:s24+$0xC470]  }
0x1d6: {  	v1 =	vld [tilespmem:s24+$0x4470]  }
0x1d7: {  	v2 =	vld [tilespmem:s24+$0xC400]  }
0x1d8: {  	v3 =	vld [tilespmem:s24+$0x4400]  }
0x1d9: {  	v4 =	vld [tilespmem:s24+$0xC410]  }
0x1da: {  	v5 =	vld [tilespmem:s24+$0x4410]  }
0x1db: {  	v6 =	vld [tilespmem:s24+$0xC420]  }
0x1dc: {  	v7 =	vld [tilespmem:s24+$0xC430]  }
0x1dd: {  	v0 =	vadd.f32 v1, v0;
	v1 =	vld [tilespmem:s24+$0x4420]  }
0x1de: {  	v8 =	vld [tilespmem:s24+$0x4430]  }
0x1df: {  	v9 =	vld [tilespmem:s24+$0x4440];
	v2 =	vadd.f32 v3, v2  }
0x1e0: {  	[tilespmem:s24+$0x18470] =	vst v0;
	v0 =	vadd.f32 v5, v4;
	v5 =	vld [tilespmem:s24+$0xC440]  }
0x1e1: {  	v3 =	vld [tilespmem:s24+$0x4450];
	[tilespmem:s24+$0x18400] =	vst v2  }
0x1e2: {  	v2 =	vld [tilespmem:s24+$0xC450];
	[tilespmem:s24+$0x18410] =	vst v0;
	v0 =	vadd.f32 v1, v6  }
0x1e3: {  	v4 =	vld [tilespmem:s24+$0x4460];
	v6 =	vadd.f32 v8, v7  }
0x1e4: {  	s28 =	simm.s32 $0x80;
	[tilespmem:s24+$0x18420] =	vst v0;
	v0 =	vld [tilespmem:s24+$0xC460]  }
0x1e5: {  	s31 =	simm.s32 $0x400;
	v5 =	vadd.f32 v9, v5;
	v1 =	vld [tilespmem:s28+$0xC470];
	[tilespmem:s24+$0x18430] =	vst v6  }
.LBB2_16:
0x1e6: {  	p0 =	sne.s32 s31, $0xFE00;
	v6 =	vld [tilespmem:s28+$0x4470]  }
0x1e7: {  	v7 =	vld [tilespmem:s28+$0xC400];
	[tilespmem:s24+$0x18440] =	vst v5;
	v2 =	vadd.f32 v3, v2  }
0x1e8: {  	v3 =	vld [tilespmem:s28+$0x4400]  }
0x1e9: {  	v5 =	vld [tilespmem:s28+$0xC410];
	[tilespmem:s24+$0x18450] =	vst v2;
	v0 =	vadd.f32 v4, v0  }
0x1ea: {  	v2 =	vld [tilespmem:s28+$0x4410]  }
0x1eb: {  	v4 =	vld [tilespmem:s28+$0xC420];
	v1 =	vadd.f32 v6, v1;
	[tilespmem:s24+$0x18460] =	vst v0;
	s24 =	smov.u32 s28  }
0x1ec: {  	v0 =	vld [tilespmem:s24+$0x4420]  }
0x1ed: {  	v3 =	vadd.f32 v3, v7;
	v6 =	vld [tilespmem:s24+$0xC430];
	[tilespmem:s24+$0x18470] =	vst v1  }
0x1ee: {  	v1 =	vld [tilespmem:s24+$0x4430]  }
0x1ef: {  	[tilespmem:s24+$0x18400] =	vst v3;
	v2 =	vadd.f32 v2, v5;
	v5 =	vld [tilespmem:s24+$0xC440]  }
0x1f0: {  	v7 =	vld [tilespmem:s24+$0x4440]  }
.Ltmp7:
0x1f1: {  	[tilespmem:s24+$0x18410] =	vst v2;
	v0 =	vadd.f32 v0, v4;
	v2 =	vld [tilespmem:s24+$0xC450];
	(pc) =	sbr.rel @p0 .LBB2_16-.Ltmp7, $4  }
0x1f2: {  	v3 =	vld [tilespmem:s24+$0x4450]  }
0x1f3: {  	[tilespmem:s24+$0x18420] =	vst v0;
	v6 =	vadd.f32 v1, v6;
	v0 =	vld [tilespmem:s24+$0xC460]  }
0x1f4: {  	s28 =	sshra.s32 s31, $0x2;
	v4 =	vld [tilespmem:s24+$0x4460]  }
0x1f5: {  	s31 =	sadd.s32 $0x200, s31;
	v1 =	vld [tilespmem:s28+$0xC470];
	[tilespmem:s24+$0x18430] =	vst v6;
	v5 =	vadd.f32 v7, v5  }
0x1f6: {  	v6 =	vld [tilespmem:s28+$0x4470]  }
0x1f7: {  	v7 =	vld [tilespmem:s28+$0xC400];
	[tilespmem:s24+$0x18440] =	vst v5;
	v2 =	vadd.f32 v3, v2  }
0x1f8: {  	v51 =	vld [tilespmem:s28+$0x4400]  }
0x1f9: {  	v5 =	vld [tilespmem:s28+$0xC410];
	[tilespmem:s24+$0x18450] =	vst v2;
	v0 =	vadd.f32 v4, v0  }
0x1fa: {  	v2 =	vld [tilespmem:s28+$0x4410]  }
0x1fb: {  	v52 =	vld [tilespmem:s28+$0xC420];
	[tilespmem:s24+$0x18460] =	vst v0  }
0x1fc: {  	v54 =	vld [tilespmem:s28+$0x4420]  }
0x1fd: {  	v55 =	vld [tilespmem:s28+$0xC430]  }
0x1fe: {  	v56 =	vld [tilespmem:s28+$0x4430]  }
0x1ff: {  	v57 =	vld [tilespmem:s28+$0xC440]  }
0x200: {  	v58 =	vld [tilespmem:s28+$0x4440]  }
0x201: {  	v59 =	vld [tilespmem:s28+$0xC450]  }
0x202: {  	v53 =	vadd.f32 v6, v1;
	v60 =	vld [tilespmem:s28+$0x4450]  }
0x203: {  	v61 =	vld [tilespmem:s28+$0xC460];
	v3 =	vadd.f32 v51, v7  }
0x204: {  	v62 =	vld [tilespmem:s28+$0x4460];
	[tilespmem:s28+$0x18470] =	vst v53;
	v2 =	vadd.f32 v2, v5  }
0x205: {  	[tilespmem:s28+$0x18400] =	vst v3;
	v1 =	vadd.f32 v54, v52  }
0x206: {  	[tilespmem:s28+$0x18410] =	vst v2;
	v0 =	vadd.f32 v56, v55  }
0x207: {  	v3 =	vadd.f32 v58, v57;
	[tilespmem:s28+$0x18420] =	vst v1  }
0x208: {  	v63 =	vadd.f32 v60, v59;
	[tilespmem:s28+$0x18430] =	vst v0  }
0x209: {  	[tilespmem:s28+$0x18440] =	vst v3;
	v1 =	vadd.f32 v62, v61  }
0x20a: {  	[tilespmem:s28+$0x18450] =	vst v63  }
0x20b: {  	s19 =	sadd.s32 $0x1, s19;
	[tilespmem:s28+$0x18460] =	vst v1  }
0x20c: {  	[hbm4b:s13+s3] =	stream.linear.scatter [tilespmem:s29], [sflag:$0x5], $0x4000, $0x38;
	[tilespmem:$0x1C400] =	vst v63  }
0x20d: {  	p0 =	sne.s32 s19, s14;
	_ =	swait.ge [sflag:s22], $0x4000  }
.Ltmp8:
0x20e: {  	[sflag:s22] =	ssyncset.done $0x0;
	(pc) =	sbr.rel @p0 .LBB2_1-.Ltmp8, $4  }
0x20f: {  	[sflag:s22] =	ssyncadd.s32 $0xFFFFC000  }
0x210: {  	_ =	swait.ge [sflag:s0], $0x4000  }
0x211: {  	[sflag:s0] =	ssyncset.done $0x0  }
0x212: {  	[sflag:s0] =	ssyncadd.s32 $0xFFFFC000  }
0x213: {  	_ =	sfence.sel $0x180000  }
0x214: {  	[bflag:$0x0] =	sbarrier.arrive $0xFFFF  }
0x215: {  	_ =	strace $0x90000047  }
0x216: {  	s0 =	stileid.u32;
	[bflag:$0x2] =	sbarrier.arrive $0xFFFF  }
0x217: {  	p0 =	sne.s32 s0, $0x0;
	s0 =	rddreg [dreg:$0x4]  }
0x218: {  	s0 =	sadd.s32 @!p0 $0x100000, s0  }
0x219: {  	[sflag:s0] =	ssyncadd.tile.s32 @!p0 $0x1;
	_ =	shalt  }
.Lfunc_end2:
_tile_overlayer_lowered:
.L_overlay_start_2:
0x21a: {  	(tag) =	ssettag $0x2  }
0x21b: {  	s0 =	rddreg [dreg:$0x0];
	s2 =	stileid.u32  }
0x21c: {  	s1 =	rddreg [dreg:$0x1];
	p0 =	sne.s32 s2, $0x0  }
0x21d: {  	s3 =	rddreg [dreg:$0x2];
	[bflag:$0x3] =	sbarrier.arrive $0xFFFF;
	s2 =	simm.s32 @!p0 $0x1C06  }
0x21e: {  	[timem:s3], [sflag:s2] =	dma.local @!p0 [hbm:s0], s1  }
0x21f: {  	s0 =	simm.s32 @!p0 $0x6  }
0x220: {  	_ =	swait.ge @!p0 [sflag:s0], s1  }
0x221: {  	s1 =	ssub.s32 @!p0 $0x0, s1;
	[sflag:s0] =	ssyncset.done @!p0 $0x0  }
0x222: {  	[sflag:s0] =	ssyncadd.s32 @!p0 s1  }
0x223: {  	[bflag:$0x3] =	sbarrier.arrive $0xFFFF  }
0x224: {  	_ =	shalt  }

</sc_bundles>
